<compile_context>
chip_gen: v7x
topology: tpu7x:2x2x1
jax: 0.10.2.dev20260603
libtpu: 0.0.44.dev20260713+nightly
codegen_flags: <defaults>
</compile_context>

<pallas_src>
import math

import jax
import jax.numpy as jnp
from jax import lax
from jax.experimental import pallas as pl
from jax.experimental.pallas import tpu as pltpu
from jax.experimental.pallas import tpu_sc as plsc

D_MODEL = 64
SEQ = 200
BATCH = 1024
N_ROWS = SEQ * BATCH
CHUNK = 128
CHUNKS_PER_SEQ = BATCH // CHUNK
N_CHUNKS = N_ROWS // CHUNK
NC, NS = 2, 16
NW = NC * NS
CPW = N_CHUNKS // NW
SCALE = math.sqrt(D_MODEL)
LANES = 16
GROUPS = D_MODEL // LANES
ROW_UNROLL = 4


def _body(idx_hbm, table_hbm, pe_hbm, out_hbm,
          idx_all, a0, a1, o0, o1, pe_v, g0, g1, s0, s1):
    w = lax.axis_index("s") * NC + lax.axis_index("c")
    c0 = w * CPW
    pltpu.sync_copy(pe_hbm, pe_v)
    pltpu.sync_copy(idx_hbm.at[w], idx_all)
    bufs = ((a0, o0, g0, s0), (a1, o1, g1, s1))

    for p in range(2):
        pltpu.async_copy(table_hbm.at[idx_all.at[p]], bufs[p][0], bufs[p][2])

    def round_body(r, carry):
        for p in range(2):
            a, o, gsem, osem = bufs[p]
            k = 2 * r + p
            c = c0 + k
            pltpu.make_async_copy(table_hbm.at[idx_all.at[k]], a, gsem).wait()

            @pl.when(r >= 1)
            def _wait_prev_scatter():
                pltpu.make_async_copy(
                    o, out_hbm.at[pl.ds((c - 2) * CHUNK, CHUNK)], osem).wait()

            s_off = (c // CHUNKS_PER_SEQ) * D_MODEL
            pe_vecs = [pe_v[pl.ds(s_off + LANES * j, LANES)]
                       for j in range(GROUPS)]

            def row_body(i, _):
                for u in range(ROW_UNROLL):
                    row = i * ROW_UNROLL + u
                    for j in range(GROUPS):
                        o[row, pl.ds(LANES * j, LANES)] = (
                            a[row, pl.ds(LANES * j, LANES)] * SCALE
                            + pe_vecs[j])
                return 0

            lax.fori_loop(0, CHUNK // ROW_UNROLL, row_body, 0)
            pltpu.async_copy(o, out_hbm.at[pl.ds(c * CHUNK, CHUNK)], osem)

            @pl.when(k + 2 < CPW)
            def _issue_next_gather():
                pltpu.async_copy(
                    table_hbm.at[idx_all.at[k + 2]], a, gsem)
        return carry

    lax.fori_loop(0, CPW // 2, round_body, 0)

    for p in range(2):
        c = c0 + CPW - 2 + p
        pltpu.make_async_copy(
            bufs[p][1], out_hbm.at[pl.ds(c * CHUNK, CHUNK)], bufs[p][3]).wait()


@jax.jit
def _emb_pe(idx2d, table, pe_flat):
    mesh = plsc.VectorSubcoreMesh(core_axis_name="c", subcore_axis_name="s")
    return pl.kernel(
        _body,
        out_type=jax.ShapeDtypeStruct((N_ROWS, D_MODEL), jnp.float32),
        mesh=mesh,
        compiler_params=pltpu.CompilerParams(use_tc_tiling_on_sc=False),
        scratch_types=[
            pltpu.VMEM((CPW, CHUNK), jnp.int32),
            pltpu.VMEM((CHUNK, D_MODEL), jnp.float32),
            pltpu.VMEM((CHUNK, D_MODEL), jnp.float32),
            pltpu.VMEM((CHUNK, D_MODEL), jnp.float32),
            pltpu.VMEM((CHUNK, D_MODEL), jnp.float32),
            pltpu.VMEM((SEQ * D_MODEL,), jnp.float32),
            pltpu.SemaphoreType.DMA,
            pltpu.SemaphoreType.DMA,
            pltpu.SemaphoreType.DMA,
            pltpu.SemaphoreType.DMA,
        ],
    )(idx2d, table, pe_flat)


def kernel(sparse_input, table, pe):
    seq, batch = sparse_input.shape
    idx2d = sparse_input.astype(jnp.int32).reshape(NW, CPW, CHUNK)
    pe_flat = pe[:seq].reshape(seq * D_MODEL)
    out = _emb_pe(idx2d, table, pe_flat)
    return out.reshape(seq, batch, D_MODEL)

# --- scband reference (transcript-rebuilt; emitter-appended) ---
"""Pipeline reference for scband-embedding-with-learnable-positional-encoding-87239375716861 (READ-ONLY COPY).

The authoritative reference and input builder live on the scoring server;
editing this copy changes nothing except your own understanding.
"""

import math
import jax, jax.numpy as jnp
import numpy as np

D_MODEL = 64
N_VOCAB = 1000000
MAX_SEQUENCE = 5000
SEQ = 200
BATCH = 1024

def setup_inputs(seed: int = 0) -> dict:
    key = jax.random.key(seed)
    k1, k2 = jax.random.split(key, 2)
    sparse_input = jax.random.randint(k1, (SEQ, BATCH), 0, N_VOCAB, dtype=jnp.int64 if jax.config.jax_enable_x64 else jnp.int32)
    table = jax.random.normal(k2, (N_VOCAB, D_MODEL), dtype=jnp.float32) * 0.02
    pe = jnp.zeros((MAX_SEQUENCE, 1, D_MODEL), dtype=jnp.float32)
    return {"sparse_input": sparse_input, "table": table, "pe": pe}

def reference(sparse_input, table, pe):
    # pe slice over leading (sequence) dim, broadcast over batch
    pe_slice = pe[:sparse_input.shape[0]]  # [S, 1, D]
    emb = jnp.take(table, sparse_input, axis=0)  # [S, B, D]
    return emb * math.sqrt(D_MODEL) + pe_slice

if __name__ == "__main__":
    import jax
    _d = setup_inputs()
    print(jax.jit(kernel)(*tuple(_d.values())))

</pallas_src>

<mosaic_0001>
#map = affine_map<(d0, d1) -> (0, 0, 0)>
#map1 = affine_map<(d0, d1) -> (0, 0)>
#map2 = affine_map<(d0, d1) -> (0)>
module attributes {stable_mosaic.version = 14 : i64} {
  func.func @_body(%arg0: i32, %arg1: i32, %arg2: memref<32x50x128xi32, #tpu.memory_space<hbm>>, %arg3: memref<1000000x64xf32, #tpu.memory_space<hbm>>, %arg4: memref<12800xf32, #tpu.memory_space<hbm>>, %arg5: memref<204800x64xf32, #tpu.memory_space<hbm>>, %arg6: memref<50x128xi32, #tpu.memory_space<vmem>>, %arg7: memref<128x64xf32, #tpu.memory_space<vmem>>, %arg8: memref<128x64xf32, #tpu.memory_space<vmem>>, %arg9: memref<128x64xf32, #tpu.memory_space<vmem>>, %arg10: memref<128x64xf32, #tpu.memory_space<vmem>>, %arg11: memref<12800xf32, #tpu.memory_space<vmem>>, %arg12: memref<!tpu.dma_semaphore, #tpu.memory_space<semaphore_mem>>, %arg13: memref<!tpu.dma_semaphore, #tpu.memory_space<semaphore_mem>>, %arg14: memref<!tpu.dma_semaphore, #tpu.memory_space<semaphore_mem>>, %arg15: memref<!tpu.dma_semaphore, #tpu.memory_space<semaphore_mem>>) attributes {dimension_semantics = [#tpu.dimension_semantics<core_parallel>, #tpu.dimension_semantics<subcore_parallel>], iteration_bounds = array<i64: 2, 16>, scalar_prefetch = 0 : i64, scratch_operands = 10 : i64, tpu.core_type = #tpu.core_type<sc_vector_subcore>, window_params = [{transform_indices = #map}, {transform_indices = #map1}, {transform_indices = #map2}, {transform_indices = #map1}]} {
    %mul3A = arith.constant 2 : i32
    %mul3A_0 = arith.muli %arg1, %mul3A : i32
    %add3A = arith.addi %mul3A_0, %arg0 : i32
    %mul3A_1 = arith.constant 50 : i32
    %mul3A_2 = arith.muli %add3A, %mul3A_1 : i32
    "tpu.region"() ({
      %run_scoped3A = tpu.sem_alloc : memref<!tpu.dma_semaphore, #tpu.memory_space<semaphore_mem>>
      tpu.enqueue_dma source(%arg4 : memref<12800xf32, #tpu.memory_space<hbm>>) target(%arg11 : memref<12800xf32, #tpu.memory_space<vmem>>) target_semaphore(%run_scoped3A : memref<!tpu.dma_semaphore, #tpu.memory_space<semaphore_mem>>)
      tpu.wait_dma2 semaphore(%run_scoped3A : memref<!tpu.dma_semaphore, #tpu.memory_space<semaphore_mem>>) src(%arg4 : memref<12800xf32, #tpu.memory_space<hbm>>) dst(%arg11 : memref<12800xf32, #tpu.memory_space<vmem>>)
      tpu.yield
    }) : () -> ()
    "tpu.region"() ({
      %run_scoped3A = tpu.sem_alloc : memref<!tpu.dma_semaphore, #tpu.memory_space<semaphore_mem>>
      %dma_start3A_43 = arith.constant 0 : i32
      %dma_start3A_44 = arith.constant 0 : i32
      %dma_start3A_45 = tpu.memref_slice %arg2[%add3A, %dma_start3A_43, %dma_start3A_44] : memref<32x50x128xi32, #tpu.memory_space<hbm>> -> memref<1x50x128xi32, #tpu.memory_space<hbm>>
      %dma_start3A_46 = tpu.memref_squeeze %dma_start3A_45 : memref<1x50x128xi32, #tpu.memory_space<hbm>> -> memref<50x128xi32, #tpu.memory_space<hbm>>
      %dma_start3A_47 = arith.constant 0 : i32
      %dma_start3A_48 = arith.constant 0 : i32
      %dma_start3A_49 = tpu.memref_slice %arg2[%add3A, %dma_start3A_47, %dma_start3A_48] : memref<32x50x128xi32, #tpu.memory_space<hbm>> -> memref<1x50x128xi32, #tpu.memory_space<hbm>>
      %dma_start3A_50 = tpu.memref_squeeze %dma_start3A_49 : memref<1x50x128xi32, #tpu.memory_space<hbm>> -> memref<50x128xi32, #tpu.memory_space<hbm>>
      tpu.enqueue_dma source(%dma_start3A_50 : memref<50x128xi32, #tpu.memory_space<hbm>>) target(%arg6 : memref<50x128xi32, #tpu.memory_space<vmem>>) target_semaphore(%run_scoped3A : memref<!tpu.dma_semaphore, #tpu.memory_space<semaphore_mem>>)
      %dma_wait3A_51 = arith.constant 0 : i32
      %dma_wait3A_52 = arith.constant 0 : i32
      %dma_wait3A_53 = tpu.memref_slice %arg2[%add3A, %dma_wait3A_51, %dma_wait3A_52] : memref<32x50x128xi32, #tpu.memory_space<hbm>> -> memref<1x50x128xi32, #tpu.memory_space<hbm>>
      %dma_wait3A_54 = tpu.memref_squeeze %dma_wait3A_53 : memref<1x50x128xi32, #tpu.memory_space<hbm>> -> memref<50x128xi32, #tpu.memory_space<hbm>>
      %dma_wait3A_55 = arith.constant 0 : i32
      %dma_wait3A_56 = arith.constant 0 : i32
      %dma_wait3A_57 = tpu.memref_slice %arg2[%add3A, %dma_wait3A_55, %dma_wait3A_56] : memref<32x50x128xi32, #tpu.memory_space<hbm>> -> memref<1x50x128xi32, #tpu.memory_space<hbm>>
      %dma_wait3A_58 = tpu.memref_squeeze %dma_wait3A_57 : memref<1x50x128xi32, #tpu.memory_space<hbm>> -> memref<50x128xi32, #tpu.memory_space<hbm>>
      tpu.wait_dma2 semaphore(%run_scoped3A : memref<!tpu.dma_semaphore, #tpu.memory_space<semaphore_mem>>) src(%dma_wait3A_58 : memref<50x128xi32, #tpu.memory_space<hbm>>) dst(%arg6 : memref<50x128xi32, #tpu.memory_space<vmem>>)
      tpu.yield
    }) : () -> ()
    %dma_start3A = arith.constant 0 : i32
    %dma_start3A_3 = arith.constant 0 : i32
    %dma_start3A_4 = tpu.memref_slice %arg6[%dma_start3A, %dma_start3A_3] : memref<50x128xi32, #tpu.memory_space<vmem>> -> memref<1x128xi32, #tpu.memory_space<vmem>>
    %dma_start3A_5 = tpu.memref_squeeze %dma_start3A_4 : memref<1x128xi32, #tpu.memory_space<vmem>> -> memref<128xi32, #tpu.memory_space<vmem>>
    %dma_start3A_6 = arith.constant 0 : i32
    %dma_start3A_7 = arith.constant 0 : i32
    %dma_start3A_8 = tpu.memref_slice %arg3[%dma_start3A_6, %dma_start3A_7] : memref<1000000x64xf32, #tpu.memory_space<hbm>> -> memref<1000000x64xf32, #tpu.memory_space<hbm>>
    tpu.enqueue_indirect_dma source(%dma_start3A_8 : memref<1000000x64xf32, #tpu.memory_space<hbm>>) target(%arg7 : memref<128x64xf32, #tpu.memory_space<vmem>>) offsets(%dma_start3A_5 : memref<128xi32, #tpu.memory_space<vmem>>) semaphore(%arg12 : memref<!tpu.dma_semaphore, #tpu.memory_space<semaphore_mem>>)
    %dma_start3A_9 = arith.constant 1 : i32
    %dma_start3A_10 = arith.constant 0 : i32
    %dma_start3A_11 = tpu.memref_slice %arg6[%dma_start3A_9, %dma_start3A_10] : memref<50x128xi32, #tpu.memory_space<vmem>> -> memref<1x128xi32, #tpu.memory_space<vmem>>
    %dma_start3A_12 = tpu.memref_squeeze %dma_start3A_11 : memref<1x128xi32, #tpu.memory_space<vmem>> -> memref<128xi32, #tpu.memory_space<vmem>>
    %dma_start3A_13 = arith.constant 0 : i32
    %dma_start3A_14 = arith.constant 0 : i32
    %dma_start3A_15 = tpu.memref_slice %arg3[%dma_start3A_13, %dma_start3A_14] : memref<1000000x64xf32, #tpu.memory_space<hbm>> -> memref<1000000x64xf32, #tpu.memory_space<hbm>>
    tpu.enqueue_indirect_dma source(%dma_start3A_15 : memref<1000000x64xf32, #tpu.memory_space<hbm>>) target(%arg8 : memref<128x64xf32, #tpu.memory_space<vmem>>) offsets(%dma_start3A_12 : memref<128xi32, #tpu.memory_space<vmem>>) semaphore(%arg13 : memref<!tpu.dma_semaphore, #tpu.memory_space<semaphore_mem>>)
    %scan3A = arith.constant 0 : i32
    %scan3A_16 = arith.constant 0 : i32
    %scan3A_17 = arith.constant 25 : i32
    %scan3A_18 = arith.addi %scan3A_16, %scan3A_17 : i32
    %scan3A_19 = arith.constant 1 : i32
    scf.for %scan3A_43 = %scan3A_16 to %scan3A_18 step %scan3A_19  : i32 {
      %mul3A_44 = arith.constant 2 : i32
      %mul3A_45 = arith.muli %mul3A_44, %scan3A_43 : i32
      %add3A_46 = arith.constant 0 : i32
      %add3A_47 = arith.addi %mul3A_45, %add3A_46 : i32
      %add3A_48 = arith.addi %mul3A_2, %add3A_47 : i32
      %dma_wait3A_49 = arith.constant 0 : i32
      %dma_wait3A_50 = tpu.memref_slice %arg6[%add3A_47, %dma_wait3A_49] : memref<50x128xi32, #tpu.memory_space<vmem>> -> memref<1x128xi32, #tpu.memory_space<vmem>>
      %dma_wait3A_51 = tpu.memref_squeeze %dma_wait3A_50 : memref<1x128xi32, #tpu.memory_space<vmem>> -> memref<128xi32, #tpu.memory_space<vmem>>
      %dma_wait3A_52 = arith.constant 0 : i32
      %dma_wait3A_53 = arith.constant 0 : i32
      %dma_wait3A_54 = tpu.memref_slice %arg3[%dma_wait3A_52, %dma_wait3A_53] : memref<1000000x64xf32, #tpu.memory_space<hbm>> -> memref<1000000x64xf32, #tpu.memory_space<hbm>>
      tpu.wait_indirect_dma semaphore(%arg12 : memref<!tpu.dma_semaphore, #tpu.memory_space<semaphore_mem>>) src(%dma_wait3A_54 : memref<1000000x64xf32, #tpu.memory_space<hbm>>) dst(%arg7 : memref<128x64xf32, #tpu.memory_space<vmem>>)
      %ge3A = arith.constant 1 : i32
      %ge3A_55 = arith.cmpi sge, %scan3A_43, %ge3A : i32
      %convert_element_type3A = arith.extui %ge3A_55 : i1 to i32
      %cond3A = arith.constant 0 : i32
      %cond3A_56 = arith.cmpi ne, %convert_element_type3A, %cond3A : i32
      scf.if %cond3A_56 {
        %sub3A_196 = arith.constant 2 : i32
        %sub3A_197 = arith.subi %add3A_48, %sub3A_196 : i32
        %mul3A_198 = arith.constant 128 : i32
        %mul3A_199 = arith.muli %sub3A_197, %mul3A_198 : i32
        %dma_wait3A_200 = arith.constant 0 : i32
        %dma_wait3A_201 = tpu.memref_slice %arg5[%mul3A_199, %dma_wait3A_200] : memref<204800x64xf32, #tpu.memory_space<hbm>> -> memref<128x64xf32, #tpu.memory_space<hbm>>
        %dma_wait3A_202 = arith.constant 0 : i32
        %dma_wait3A_203 = tpu.memref_slice %arg5[%mul3A_199, %dma_wait3A_202] : memref<204800x64xf32, #tpu.memory_space<hbm>> -> memref<128x64xf32, #tpu.memory_space<hbm>>
        tpu.wait_dma2 semaphore(%arg14 : memref<!tpu.dma_semaphore, #tpu.memory_space<semaphore_mem>>) src(%arg9 : memref<128x64xf32, #tpu.memory_space<vmem>>) dst(%dma_wait3A_203 : memref<128x64xf32, #tpu.memory_space<hbm>>)
      } else {
      }
      %jit3A = arith.constant 8 : i32
      %div3A = arith.divsi %add3A_48, %jit3A : i32
      %sign3A = arith.constant 0 : i32
      %sign3A_57 = arith.cmpi sgt, %add3A_48, %sign3A : i32
      %sign3A_58 = arith.extui %sign3A_57 : i1 to i32
      %sign3A_59 = arith.constant 0 : i32
      %sign3A_60 = arith.cmpi slt, %add3A_48, %sign3A_59 : i32
      %sign3A_61 = arith.extui %sign3A_60 : i1 to i32
      %sign3A_62 = arith.subi %sign3A_58, %sign3A_61 : i32
      %sign3A_63 = arith.constant 0 : i32
      %sign3A_64 = arith.cmpi sgt, %jit3A, %sign3A_63 : i32
      %sign3A_65 = arith.extui %sign3A_64 : i1 to i32
      %sign3A_66 = arith.constant 0 : i32
      %sign3A_67 = arith.cmpi slt, %jit3A, %sign3A_66 : i32
      %sign3A_68 = arith.extui %sign3A_67 : i1 to i32
      %sign3A_69 = arith.subi %sign3A_65, %sign3A_68 : i32
      %ne3A = arith.cmpi ne, %sign3A_62, %sign3A_69 : i32
      %rem3A = arith.remsi %add3A_48, %jit3A : i32
      %ne3A_70 = arith.constant 0 : i32
      %ne3A_71 = arith.cmpi ne, %rem3A, %ne3A_70 : i32
      %and3A = arith.andi %ne3A, %ne3A_71 : i1
      %sub3A_72 = arith.constant 1 : i32
      %sub3A_73 = arith.subi %div3A, %sub3A_72 : i32
      %select_n3A = arith.select %and3A, %sub3A_73, %div3A : i32
      %mul3A_74 = arith.constant 64 : i32
      %mul3A_75 = arith.muli %select_n3A, %mul3A_74 : i32
      %add3A_76 = arith.constant 0 : i32
      %add3A_77 = arith.addi %mul3A_75, %add3A_76 : i32
      %get3A = arith.index_cast %add3A_77 : i32 to index
      %get3A_78 = tpu.vector_load %arg11[%get3A] {strides = array<i32>} : memref<12800xf32, #tpu.memory_space<vmem>>, vector<16xf32>,
      %get3A_79 = vector.shape_cast %get3A_78 : vector<16xf32> to vector<16xf32>
      %add3A_80 = arith.constant 16 : i32
      %add3A_81 = arith.addi %mul3A_75, %add3A_80 : i32
      %get3A_82 = arith.index_cast %add3A_81 : i32 to index
      %get3A_83 = tpu.vector_load %arg11[%get3A_82] {strides = array<i32>} : memref<12800xf32, #tpu.memory_space<vmem>>, vector<16xf32>,
      %get3A_84 = vector.shape_cast %get3A_83 : vector<16xf32> to vector<16xf32>
      %add3A_85 = arith.constant 32 : i32
      %add3A_86 = arith.addi %mul3A_75, %add3A_85 : i32
      %get3A_87 = arith.index_cast %add3A_86 : i32 to index
      %get3A_88 = tpu.vector_load %arg11[%get3A_87] {strides = array<i32>} : memref<12800xf32, #tpu.memory_space<vmem>>, vector<16xf32>,
      %get3A_89 = vector.shape_cast %get3A_88 : vector<16xf32> to vector<16xf32>
      %add3A_90 = arith.constant 48 : i32
      %add3A_91 = arith.addi %mul3A_75, %add3A_90 : i32
      %get3A_92 = arith.index_cast %add3A_91 : i32 to index
      %get3A_93 = tpu.vector_load %arg11[%get3A_92] {strides = array<i32>} : memref<12800xf32, #tpu.memory_space<vmem>>, vector<16xf32>,
      %get3A_94 = vector.shape_cast %get3A_93 : vector<16xf32> to vector<16xf32>
      %scan3A_95 = arith.constant 0 : i32
      %scan3A_96 = arith.constant 0 : i32
      %scan3A_97 = arith.constant 32 : i32
      %scan3A_98 = arith.addi %scan3A_96, %scan3A_97 : i32
      %scan3A_99 = arith.constant 1 : i32
      %scan3A_100 = scf.for %scan3A_196 = %scan3A_96 to %scan3A_98 step %scan3A_99 iter_args(%scan3A_197 = %scan3A_95) -> (i32)  : i32 {
        %mul3A_198 = arith.constant 4 : i32
        %mul3A_199 = arith.muli %scan3A_196, %mul3A_198 : i32
        %add3A_200 = arith.constant 0 : i32
        %add3A_201 = arith.addi %mul3A_199, %add3A_200 : i32
        %get3A_202 = arith.index_cast %add3A_201 : i32 to index
        %get3A_203 = arith.constant 0 : index
        %get3A_204 = tpu.vector_load %arg7[%get3A_202, %get3A_203] {strides = array<i32>} : memref<128x64xf32, #tpu.memory_space<vmem>>, vector<1x16xf32>,
        %get3A_205 = vector.shape_cast %get3A_204 : vector<1x16xf32> to vector<16xf32>
        %mul3A_206 = arith.constant 8.000000e+00 : f32
        %mul3A_207 = vector.broadcast %mul3A_206 : f32 to vector<16xf32>
        %mul3A_208 = arith.mulf %get3A_205, %mul3A_207 : vector<16xf32>
        %add3A_209 = arith.addf %mul3A_208, %get3A_79 : vector<16xf32>
        %swap3A = arith.index_cast %add3A_201 : i32 to index
        %swap3A_210 = arith.constant 0 : index
        %swap3A_211 = tpu.vector_load %arg9[%swap3A, %swap3A_210] {strides = array<i32>} : memref<128x64xf32, #tpu.memory_space<vmem>>, vector<1x16xf32>,
        %swap3A_212 = vector.shape_cast %swap3A_211 : vector<1x16xf32> to vector<16xf32>
        %swap3A_213 = vector.shape_cast %add3A_209 : vector<16xf32> to vector<1x16xf32>
        tpu.vector_store %arg9[%swap3A, %swap3A_210], %swap3A_213 {strides = array<i32>} : memref<128x64xf32, #tpu.memory_space<vmem>>, vector<1x16xf32>,
        %get3A_214 = arith.index_cast %add3A_201 : i32 to index
        %get3A_215 = arith.constant 16 : index
        %get3A_216 = tpu.vector_load %arg7[%get3A_214, %get3A_215] {strides = array<i32>} : memref<128x64xf32, #tpu.memory_space<vmem>>, vector<1x16xf32>,
        %get3A_217 = vector.shape_cast %get3A_216 : vector<1x16xf32> to vector<16xf32>
        %mul3A_218 = arith.constant 8.000000e+00 : f32
        %mul3A_219 = vector.broadcast %mul3A_218 : f32 to vector<16xf32>
        %mul3A_220 = arith.mulf %get3A_217, %mul3A_219 : vector<16xf32>
        %add3A_221 = arith.addf %mul3A_220, %get3A_84 : vector<16xf32>
        %swap3A_222 = arith.index_cast %add3A_201 : i32 to index
        %swap3A_223 = arith.constant 16 : index
        %swap3A_224 = tpu.vector_load %arg9[%swap3A_222, %swap3A_223] {strides = array<i32>} : memref<128x64xf32, #tpu.memory_space<vmem>>, vector<1x16xf32>,
        %swap3A_225 = vector.shape_cast %swap3A_224 : vector<1x16xf32> to vector<16xf32>
        %swap3A_226 = vector.shape_cast %add3A_221 : vector<16xf32> to vector<1x16xf32>
        tpu.vector_store %arg9[%swap3A_222, %swap3A_223], %swap3A_226 {strides = array<i32>} : memref<128x64xf32, #tpu.memory_space<vmem>>, vector<1x16xf32>,
        %get3A_227 = arith.index_cast %add3A_201 : i32 to index
        %get3A_228 = arith.constant 32 : index
        %get3A_229 = tpu.vector_load %arg7[%get3A_227, %get3A_228] {strides = array<i32>} : memref<128x64xf32, #tpu.memory_space<vmem>>, vector<1x16xf32>,
        %get3A_230 = vector.shape_cast %get3A_229 : vector<1x16xf32> to vector<16xf32>
        %mul3A_231 = arith.constant 8.000000e+00 : f32
        %mul3A_232 = vector.broadcast %mul3A_231 : f32 to vector<16xf32>
        %mul3A_233 = arith.mulf %get3A_230, %mul3A_232 : vector<16xf32>
        %add3A_234 = arith.addf %mul3A_233, %get3A_89 : vector<16xf32>
        %swap3A_235 = arith.index_cast %add3A_201 : i32 to index
        %swap3A_236 = arith.constant 32 : index
        %swap3A_237 = tpu.vector_load %arg9[%swap3A_235, %swap3A_236] {strides = array<i32>} : memref<128x64xf32, #tpu.memory_space<vmem>>, vector<1x16xf32>,
        %swap3A_238 = vector.shape_cast %swap3A_237 : vector<1x16xf32> to vector<16xf32>
        %swap3A_239 = vector.shape_cast %add3A_234 : vector<16xf32> to vector<1x16xf32>
        tpu.vector_store %arg9[%swap3A_235, %swap3A_236], %swap3A_239 {strides = array<i32>} : memref<128x64xf32, #tpu.memory_space<vmem>>, vector<1x16xf32>,
        %get3A_240 = arith.index_cast %add3A_201 : i32 to index
        %get3A_241 = arith.constant 48 : index
        %get3A_242 = tpu.vector_load %arg7[%get3A_240, %get3A_241] {strides = array<i32>} : memref<128x64xf32, #tpu.memory_space<vmem>>, vector<1x16xf32>,
        %get3A_243 = vector.shape_cast %get3A_242 : vector<1x16xf32> to vector<16xf32>
        %mul3A_244 = arith.constant 8.000000e+00 : f32
        %mul3A_245 = vector.broadcast %mul3A_244 : f32 to vector<16xf32>
        %mul3A_246 = arith.mulf %get3A_243, %mul3A_245 : vector<16xf32>
        %add3A_247 = arith.addf %mul3A_246, %get3A_94 : vector<16xf32>
        %swap3A_248 = arith.index_cast %add3A_201 : i32 to index
        %swap3A_249 = arith.constant 48 : index
        %swap3A_250 = tpu.vector_load %arg9[%swap3A_248, %swap3A_249] {strides = array<i32>} : memref<128x64xf32, #tpu.memory_space<vmem>>, vector<1x16xf32>,
        %swap3A_251 = vector.shape_cast %swap3A_250 : vector<1x16xf32> to vector<16xf32>
        %swap3A_252 = vector.shape_cast %add3A_247 : vector<16xf32> to vector<1x16xf32>
        tpu.vector_store %arg9[%swap3A_248, %swap3A_249], %swap3A_252 {strides = array<i32>} : memref<128x64xf32, #tpu.memory_space<vmem>>, vector<1x16xf32>,
        %mul3A_253 = arith.constant 4 : i32
        %mul3A_254 = arith.muli %scan3A_196, %mul3A_253 : i32
        %add3A_255 = arith.constant 1 : i32
        %add3A_256 = arith.addi %mul3A_254, %add3A_255 : i32
        %get3A_257 = arith.index_cast %add3A_256 : i32 to index
        %get3A_258 = arith.constant 0 : index
        %get3A_259 = tpu.vector_load %arg7[%get3A_257, %get3A_258] {strides = array<i32>} : memref<128x64xf32, #tpu.memory_space<vmem>>, vector<1x16xf32>,
        %get3A_260 = vector.shape_cast %get3A_259 : vector<1x16xf32> to vector<16xf32>
        %mul3A_261 = arith.constant 8.000000e+00 : f32
        %mul3A_262 = vector.broadcast %mul3A_261 : f32 to vector<16xf32>
        %mul3A_263 = arith.mulf %get3A_260, %mul3A_262 : vector<16xf32>
        %add3A_264 = arith.addf %mul3A_263, %get3A_79 : vector<16xf32>
        %swap3A_265 = arith.index_cast %add3A_256 : i32 to index
        %swap3A_266 = arith.constant 0 : index
        %swap3A_267 = tpu.vector_load %arg9[%swap3A_265, %swap3A_266] {strides = array<i32>} : memref<128x64xf32, #tpu.memory_space<vmem>>, vector<1x16xf32>,
        %swap3A_268 = vector.shape_cast %swap3A_267 : vector<1x16xf32> to vector<16xf32>
        %swap3A_269 = vector.shape_cast %add3A_264 : vector<16xf32> to vector<1x16xf32>
        tpu.vector_store %arg9[%swap3A_265, %swap3A_266], %swap3A_269 {strides = array<i32>} : memref<128x64xf32, #tpu.memory_space<vmem>>, vector<1x16xf32>,
        %get3A_270 = arith.index_cast %add3A_256 : i32 to index
        %get3A_271 = arith.constant 16 : index
        %get3A_272 = tpu.vector_load %arg7[%get3A_270, %get3A_271] {strides = array<i32>} : memref<128x64xf32, #tpu.memory_space<vmem>>, vector<1x16xf32>,
        %get3A_273 = vector.shape_cast %get3A_272 : vector<1x16xf32> to vector<16xf32>
        %mul3A_274 = arith.constant 8.000000e+00 : f32
        %mul3A_275 = vector.broadcast %mul3A_274 : f32 to vector<16xf32>
        %mul3A_276 = arith.mulf %get3A_273, %mul3A_275 : vector<16xf32>
        %add3A_277 = arith.addf %mul3A_276, %get3A_84 : vector<16xf32>
        %swap3A_278 = arith.index_cast %add3A_256 : i32 to index
        %swap3A_279 = arith.constant 16 : index
        %swap3A_280 = tpu.vector_load %arg9[%swap3A_278, %swap3A_279] {strides = array<i32>} : memref<128x64xf32, #tpu.memory_space<vmem>>, vector<1x16xf32>,
        %swap3A_281 = vector.shape_cast %swap3A_280 : vector<1x16xf32> to vector<16xf32>
        %swap3A_282 = vector.shape_cast %add3A_277 : vector<16xf32> to vector<1x16xf32>
        tpu.vector_store %arg9[%swap3A_278, %swap3A_279], %swap3A_282 {strides = array<i32>} : memref<128x64xf32, #tpu.memory_space<vmem>>, vector<1x16xf32>,
        %get3A_283 = arith.index_cast %add3A_256 : i32 to index
        %get3A_284 = arith.constant 32 : index
        %get3A_285 = tpu.vector_load %arg7[%get3A_283, %get3A_284] {strides = array<i32>} : memref<128x64xf32, #tpu.memory_space<vmem>>, vector<1x16xf32>,
        %get3A_286 = vector.shape_cast %get3A_285 : vector<1x16xf32> to vector<16xf32>
        %mul3A_287 = arith.constant 8.000000e+00 : f32
        %mul3A_288 = vector.broadcast %mul3A_287 : f32 to vector<16xf32>
        %mul3A_289 = arith.mulf %get3A_286, %mul3A_288 : vector<16xf32>
        %add3A_290 = arith.addf %mul3A_289, %get3A_89 : vector<16xf32>
        %swap3A_291 = arith.index_cast %add3A_256 : i32 to index
        %swap3A_292 = arith.constant 32 : index
        %swap3A_293 = tpu.vector_load %arg9[%swap3A_291, %swap3A_292] {strides = array<i32>} : memref<128x64xf32, #tpu.memory_space<vmem>>, vector<1x16xf32>,
        %swap3A_294 = vector.shape_cast %swap3A_293 : vector<1x16xf32> to vector<16xf32>
        %swap3A_295 = vector.shape_cast %add3A_290 : vector<16xf32> to vector<1x16xf32>
        tpu.vector_store %arg9[%swap3A_291, %swap3A_292], %swap3A_295 {strides = array<i32>} : memref<128x64xf32, #tpu.memory_space<vmem>>, vector<1x16xf32>,
        %get3A_296 = arith.index_cast %add3A_256 : i32 to index
        %get3A_297 = arith.constant 48 : index
        %get3A_298 = tpu.vector_load %arg7[%get3A_296, %get3A_297] {strides = array<i32>} : memref<128x64xf32, #tpu.memory_space<vmem>>, vector<1x16xf32>,
        %get3A_299 = vector.shape_cast %get3A_298 : vector<1x16xf32> to vector<16xf32>
        %mul3A_300 = arith.constant 8.000000e+00 : f32
        %mul3A_301 = vector.broadcast %mul3A_300 : f32 to vector<16xf32>
        %mul3A_302 = arith.mulf %get3A_299, %mul3A_301 : vector<16xf32>
        %add3A_303 = arith.addf %mul3A_302, %get3A_94 : vector<16xf32>
        %swap3A_304 = arith.index_cast %add3A_256 : i32 to index
        %swap3A_305 = arith.constant 48 : index
        %swap3A_306 = tpu.vector_load %arg9[%swap3A_304, %swap3A_305] {strides = array<i32>} : memref<128x64xf32, #tpu.memory_space<vmem>>, vector<1x16xf32>,
        %swap3A_307 = vector.shape_cast %swap3A_306 : vector<1x16xf32> to vector<16xf32>
        %swap3A_308 = vector.shape_cast %add3A_303 : vector<16xf32> to vector<1x16xf32>
        tpu.vector_store %arg9[%swap3A_304, %swap3A_305], %swap3A_308 {strides = array<i32>} : memref<128x64xf32, #tpu.memory_space<vmem>>, vector<1x16xf32>,
        %mul3A_309 = arith.constant 4 : i32
        %mul3A_310 = arith.muli %scan3A_196, %mul3A_309 : i32
        %add3A_311 = arith.constant 2 : i32
        %add3A_312 = arith.addi %mul3A_310, %add3A_311 : i32
        %get3A_313 = arith.index_cast %add3A_312 : i32 to index
        %get3A_314 = arith.constant 0 : index
        %get3A_315 = tpu.vector_load %arg7[%get3A_313, %get3A_314] {strides = array<i32>} : memref<128x64xf32, #tpu.memory_space<vmem>>, vector<1x16xf32>,
        %get3A_316 = vector.shape_cast %get3A_315 : vector<1x16xf32> to vector<16xf32>
        %mul3A_317 = arith.constant 8.000000e+00 : f32
        %mul3A_318 = vector.broadcast %mul3A_317 : f32 to vector<16xf32>
        %mul3A_319 = arith.mulf %get3A_316, %mul3A_318 : vector<16xf32>
        %add3A_320 = arith.addf %mul3A_319, %get3A_79 : vector<16xf32>
        %swap3A_321 = arith.index_cast %add3A_312 : i32 to index
        %swap3A_322 = arith.constant 0 : index
        %swap3A_323 = tpu.vector_load %arg9[%swap3A_321, %swap3A_322] {strides = array<i32>} : memref<128x64xf32, #tpu.memory_space<vmem>>, vector<1x16xf32>,
        %swap3A_324 = vector.shape_cast %swap3A_323 : vector<1x16xf32> to vector<16xf32>
        %swap3A_325 = vector.shape_cast %add3A_320 : vector<16xf32> to vector<1x16xf32>
        tpu.vector_store %arg9[%swap3A_321, %swap3A_322], %swap3A_325 {strides = array<i32>} : memref<128x64xf32, #tpu.memory_space<vmem>>, vector<1x16xf32>,
        %get3A_326 = arith.index_cast %add3A_312 : i32 to index
        %get3A_327 = arith.constant 16 : index
        %get3A_328 = tpu.vector_load %arg7[%get3A_326, %get3A_327] {strides = array<i32>} : memref<128x64xf32, #tpu.memory_space<vmem>>, vector<1x16xf32>,
        %get3A_329 = vector.shape_cast %get3A_328 : vector<1x16xf32> to vector<16xf32>
        %mul3A_330 = arith.constant 8.000000e+00 : f32
        %mul3A_331 = vector.broadcast %mul3A_330 : f32 to vector<16xf32>
        %mul3A_332 = arith.mulf %get3A_329, %mul3A_331 : vector<16xf32>
        %add3A_333 = arith.addf %mul3A_332, %get3A_84 : vector<16xf32>
        %swap3A_334 = arith.index_cast %add3A_312 : i32 to index
        %swap3A_335 = arith.constant 16 : index
        %swap3A_336 = tpu.vector_load %arg9[%swap3A_334, %swap3A_335] {strides = array<i32>} : memref<128x64xf32, #tpu.memory_space<vmem>>, vector<1x16xf32>,
        %swap3A_337 = vector.shape_cast %swap3A_336 : vector<1x16xf32> to vector<16xf32>
        %swap3A_338 = vector.shape_cast %add3A_333 : vector<16xf32> to vector<1x16xf32>
        tpu.vector_store %arg9[%swap3A_334, %swap3A_335], %swap3A_338 {strides = array<i32>} : memref<128x64xf32, #tpu.memory_space<vmem>>, vector<1x16xf32>,
        %get3A_339 = arith.index_cast %add3A_312 : i32 to index
        %get3A_340 = arith.constant 32 : index
        %get3A_341 = tpu.vector_load %arg7[%get3A_339, %get3A_340] {strides = array<i32>} : memref<128x64xf32, #tpu.memory_space<vmem>>, vector<1x16xf32>,
        %get3A_342 = vector.shape_cast %get3A_341 : vector<1x16xf32> to vector<16xf32>
        %mul3A_343 = arith.constant 8.000000e+00 : f32
        %mul3A_344 = vector.broadcast %mul3A_343 : f32 to vector<16xf32>
        %mul3A_345 = arith.mulf %get3A_342, %mul3A_344 : vector<16xf32>
        %add3A_346 = arith.addf %mul3A_345, %get3A_89 : vector<16xf32>
        %swap3A_347 = arith.index_cast %add3A_312 : i32 to index
        %swap3A_348 = arith.constant 32 : index
        %swap3A_349 = tpu.vector_load %arg9[%swap3A_347, %swap3A_348] {strides = array<i32>} : memref<128x64xf32, #tpu.memory_space<vmem>>, vector<1x16xf32>,
        %swap3A_350 = vector.shape_cast %swap3A_349 : vector<1x16xf32> to vector<16xf32>
        %swap3A_351 = vector.shape_cast %add3A_346 : vector<16xf32> to vector<1x16xf32>
        tpu.vector_store %arg9[%swap3A_347, %swap3A_348], %swap3A_351 {strides = array<i32>} : memref<128x64xf32, #tpu.memory_space<vmem>>, vector<1x16xf32>,
        %get3A_352 = arith.index_cast %add3A_312 : i32 to index
        %get3A_353 = arith.constant 48 : index
        %get3A_354 = tpu.vector_load %arg7[%get3A_352, %get3A_353] {strides = array<i32>} : memref<128x64xf32, #tpu.memory_space<vmem>>, vector<1x16xf32>,
        %get3A_355 = vector.shape_cast %get3A_354 : vector<1x16xf32> to vector<16xf32>
        %mul3A_356 = arith.constant 8.000000e+00 : f32
        %mul3A_357 = vector.broadcast %mul3A_356 : f32 to vector<16xf32>
        %mul3A_358 = arith.mulf %get3A_355, %mul3A_357 : vector<16xf32>
        %add3A_359 = arith.addf %mul3A_358, %get3A_94 : vector<16xf32>
        %swap3A_360 = arith.index_cast %add3A_312 : i32 to index
        %swap3A_361 = arith.constant 48 : index
        %swap3A_362 = tpu.vector_load %arg9[%swap3A_360, %swap3A_361] {strides = array<i32>} : memref<128x64xf32, #tpu.memory_space<vmem>>, vector<1x16xf32>,
        %swap3A_363 = vector.shape_cast %swap3A_362 : vector<1x16xf32> to vector<16xf32>
        %swap3A_364 = vector.shape_cast %add3A_359 : vector<16xf32> to vector<1x16xf32>
        tpu.vector_store %arg9[%swap3A_360, %swap3A_361], %swap3A_364 {strides = array<i32>} : memref<128x64xf32, #tpu.memory_space<vmem>>, vector<1x16xf32>,
        %mul3A_365 = arith.constant 4 : i32
        %mul3A_366 = arith.muli %scan3A_196, %mul3A_365 : i32
        %add3A_367 = arith.constant 3 : i32
        %add3A_368 = arith.addi %mul3A_366, %add3A_367 : i32
        %get3A_369 = arith.index_cast %add3A_368 : i32 to index
        %get3A_370 = arith.constant 0 : index
        %get3A_371 = tpu.vector_load %arg7[%get3A_369, %get3A_370] {strides = array<i32>} : memref<128x64xf32, #tpu.memory_space<vmem>>, vector<1x16xf32>,
        %get3A_372 = vector.shape_cast %get3A_371 : vector<1x16xf32> to vector<16xf32>
        %mul3A_373 = arith.constant 8.000000e+00 : f32
        %mul3A_374 = vector.broadcast %mul3A_373 : f32 to vector<16xf32>
        %mul3A_375 = arith.mulf %get3A_372, %mul3A_374 : vector<16xf32>
        %add3A_376 = arith.addf %mul3A_375, %get3A_79 : vector<16xf32>
        %swap3A_377 = arith.index_cast %add3A_368 : i32 to index
        %swap3A_378 = arith.constant 0 : index
        %swap3A_379 = tpu.vector_load %arg9[%swap3A_377, %swap3A_378] {strides = array<i32>} : memref<128x64xf32, #tpu.memory_space<vmem>>, vector<1x16xf32>,
        %swap3A_380 = vector.shape_cast %swap3A_379 : vector<1x16xf32> to vector<16xf32>
        %swap3A_381 = vector.shape_cast %add3A_376 : vector<16xf32> to vector<1x16xf32>
        tpu.vector_store %arg9[%swap3A_377, %swap3A_378], %swap3A_381 {strides = array<i32>} : memref<128x64xf32, #tpu.memory_space<vmem>>, vector<1x16xf32>,
        %get3A_382 = arith.index_cast %add3A_368 : i32 to index
        %get3A_383 = arith.constant 16 : index
        %get3A_384 = tpu.vector_load %arg7[%get3A_382, %get3A_383] {strides = array<i32>} : memref<128x64xf32, #tpu.memory_space<vmem>>, vector<1x16xf32>,
        %get3A_385 = vector.shape_cast %get3A_384 : vector<1x16xf32> to vector<16xf32>
        %mul3A_386 = arith.constant 8.000000e+00 : f32
        %mul3A_387 = vector.broadcast %mul3A_386 : f32 to vector<16xf32>
        %mul3A_388 = arith.mulf %get3A_385, %mul3A_387 : vector<16xf32>
        %add3A_389 = arith.addf %mul3A_388, %get3A_84 : vector<16xf32>
        %swap3A_390 = arith.index_cast %add3A_368 : i32 to index
        %swap3A_391 = arith.constant 16 : index
        %swap3A_392 = tpu.vector_load %arg9[%swap3A_390, %swap3A_391] {strides = array<i32>} : memref<128x64xf32, #tpu.memory_space<vmem>>, vector<1x16xf32>,
        %swap3A_393 = vector.shape_cast %swap3A_392 : vector<1x16xf32> to vector<16xf32>
        %swap3A_394 = vector.shape_cast %add3A_389 : vector<16xf32> to vector<1x16xf32>
        tpu.vector_store %arg9[%swap3A_390, %swap3A_391], %swap3A_394 {strides = array<i32>} : memref<128x64xf32, #tpu.memory_space<vmem>>, vector<1x16xf32>,
        %get3A_395 = arith.index_cast %add3A_368 : i32 to index
        %get3A_396 = arith.constant 32 : index
        %get3A_397 = tpu.vector_load %arg7[%get3A_395, %get3A_396] {strides = array<i32>} : memref<128x64xf32, #tpu.memory_space<vmem>>, vector<1x16xf32>,
        %get3A_398 = vector.shape_cast %get3A_397 : vector<1x16xf32> to vector<16xf32>
        %mul3A_399 = arith.constant 8.000000e+00 : f32
        %mul3A_400 = vector.broadcast %mul3A_399 : f32 to vector<16xf32>
        %mul3A_401 = arith.mulf %get3A_398, %mul3A_400 : vector<16xf32>
        %add3A_402 = arith.addf %mul3A_401, %get3A_89 : vector<16xf32>
        %swap3A_403 = arith.index_cast %add3A_368 : i32 to index
        %swap3A_404 = arith.constant 32 : index
        %swap3A_405 = tpu.vector_load %arg9[%swap3A_403, %swap3A_404] {strides = array<i32>} : memref<128x64xf32, #tpu.memory_space<vmem>>, vector<1x16xf32>,
        %swap3A_406 = vector.shape_cast %swap3A_405 : vector<1x16xf32> to vector<16xf32>
        %swap3A_407 = vector.shape_cast %add3A_402 : vector<16xf32> to vector<1x16xf32>
        tpu.vector_store %arg9[%swap3A_403, %swap3A_404], %swap3A_407 {strides = array<i32>} : memref<128x64xf32, #tpu.memory_space<vmem>>, vector<1x16xf32>,
        %get3A_408 = arith.index_cast %add3A_368 : i32 to index
        %get3A_409 = arith.constant 48 : index
        %get3A_410 = tpu.vector_load %arg7[%get3A_408, %get3A_409] {strides = array<i32>} : memref<128x64xf32, #tpu.memory_space<vmem>>, vector<1x16xf32>,
        %get3A_411 = vector.shape_cast %get3A_410 : vector<1x16xf32> to vector<16xf32>
        %mul3A_412 = arith.constant 8.000000e+00 : f32
        %mul3A_413 = vector.broadcast %mul3A_412 : f32 to vector<16xf32>
        %mul3A_414 = arith.mulf %get3A_411, %mul3A_413 : vector<16xf32>
        %add3A_415 = arith.addf %mul3A_414, %get3A_94 : vector<16xf32>
        %swap3A_416 = arith.index_cast %add3A_368 : i32 to index
        %swap3A_417 = arith.constant 48 : index
        %swap3A_418 = tpu.vector_load %arg9[%swap3A_416, %swap3A_417] {strides = array<i32>} : memref<128x64xf32, #tpu.memory_space<vmem>>, vector<1x16xf32>,
        %swap3A_419 = vector.shape_cast %swap3A_418 : vector<1x16xf32> to vector<16xf32>
        %swap3A_420 = vector.shape_cast %add3A_415 : vector<16xf32> to vector<1x16xf32>
        tpu.vector_store %arg9[%swap3A_416, %swap3A_417], %swap3A_420 {strides = array<i32>} : memref<128x64xf32, #tpu.memory_space<vmem>>, vector<1x16xf32>,
        %scan3A_421 = arith.constant 0 : i32
        scf.yield %scan3A_421 : i32
      }
      %scan3A_101 = arith.constant 32 : i32
      %mul3A_102 = arith.constant 128 : i32
      %mul3A_103 = arith.muli %add3A_48, %mul3A_102 : i32
      %dma_start3A_104 = arith.constant 0 : i32
      %dma_start3A_105 = tpu.memref_slice %arg5[%mul3A_103, %dma_start3A_104] : memref<204800x64xf32, #tpu.memory_space<hbm>> -> memref<128x64xf32, #tpu.memory_space<hbm>>
      %dma_start3A_106 = arith.constant 0 : i32
      %dma_start3A_107 = tpu.memref_slice %arg5[%mul3A_103, %dma_start3A_106] : memref<204800x64xf32, #tpu.memory_space<hbm>> -> memref<128x64xf32, #tpu.memory_space<hbm>>
      tpu.enqueue_dma source(%arg9 : memref<128x64xf32, #tpu.memory_space<vmem>>) target(%dma_start3A_107 : memref<128x64xf32, #tpu.memory_space<hbm>>) target_semaphore(%arg14 : memref<!tpu.dma_semaphore, #tpu.memory_space<semaphore_mem>>)
      %add3A_108 = arith.constant 2 : i32
      %add3A_109 = arith.addi %add3A_47, %add3A_108 : i32
      %lt3A = arith.constant 50 : i32
      %lt3A_110 = arith.cmpi slt, %add3A_109, %lt3A : i32
      %convert_element_type3A_111 = arith.extui %lt3A_110 : i1 to i32
      %cond3A_112 = arith.constant 0 : i32
      %cond3A_113 = arith.cmpi ne, %convert_element_type3A_111, %cond3A_112 : i32
      scf.if %cond3A_113 {
        %add3A_196 = arith.constant 2 : i32
        %add3A_197 = arith.addi %add3A_47, %add3A_196 : i32
        %dma_start3A_198 = arith.constant 0 : i32
        %dma_start3A_199 = tpu.memref_slice %arg6[%add3A_197, %dma_start3A_198] : memref<50x128xi32, #tpu.memory_space<vmem>> -> memref<1x128xi32, #tpu.memory_space<vmem>>
        %dma_start3A_200 = tpu.memref_squeeze %dma_start3A_199 : memref<1x128xi32, #tpu.memory_space<vmem>> -> memref<128xi32, #tpu.memory_space<vmem>>
        %dma_start3A_201 = arith.constant 0 : i32
        %dma_start3A_202 = arith.constant 0 : i32
        %dma_start3A_203 = tpu.memref_slice %arg3[%dma_start3A_201, %dma_start3A_202] : memref<1000000x64xf32, #tpu.memory_space<hbm>> -> memref<1000000x64xf32, #tpu.memory_space<hbm>>
        tpu.enqueue_indirect_dma source(%dma_start3A_203 : memref<1000000x64xf32, #tpu.memory_space<hbm>>) target(%arg7 : memref<128x64xf32, #tpu.memory_space<vmem>>) offsets(%dma_start3A_200 : memref<128xi32, #tpu.memory_space<vmem>>) semaphore(%arg12 : memref<!tpu.dma_semaphore, #tpu.memory_space<semaphore_mem>>)
      } else {
      }
      %mul3A_114 = arith.constant 2 : i32
      %mul3A_115 = arith.muli %mul3A_114, %scan3A_43 : i32
      %add3A_116 = arith.constant 1 : i32
      %add3A_117 = arith.addi %mul3A_115, %add3A_116 : i32
      %add3A_118 = arith.addi %mul3A_2, %add3A_117 : i32
      %dma_wait3A_119 = arith.constant 0 : i32
      %dma_wait3A_120 = tpu.memref_slice %arg6[%add3A_117, %dma_wait3A_119] : memref<50x128xi32, #tpu.memory_space<vmem>> -> memref<1x128xi32, #tpu.memory_space<vmem>>
      %dma_wait3A_121 = tpu.memref_squeeze %dma_wait3A_120 : memref<1x128xi32, #tpu.memory_space<vmem>> -> memref<128xi32, #tpu.memory_space<vmem>>
      %dma_wait3A_122 = arith.constant 0 : i32
      %dma_wait3A_123 = arith.constant 0 : i32
      %dma_wait3A_124 = tpu.memref_slice %arg3[%dma_wait3A_122, %dma_wait3A_123] : memref<1000000x64xf32, #tpu.memory_space<hbm>> -> memref<1000000x64xf32, #tpu.memory_space<hbm>>
      tpu.wait_indirect_dma semaphore(%arg13 : memref<!tpu.dma_semaphore, #tpu.memory_space<semaphore_mem>>) src(%dma_wait3A_124 : memref<1000000x64xf32, #tpu.memory_space<hbm>>) dst(%arg8 : memref<128x64xf32, #tpu.memory_space<vmem>>)
      %ge3A_125 = arith.constant 1 : i32
      %ge3A_126 = arith.cmpi sge, %scan3A_43, %ge3A_125 : i32
      %convert_element_type3A_127 = arith.extui %ge3A_126 : i1 to i32
      %cond3A_128 = arith.constant 0 : i32
      %cond3A_129 = arith.cmpi ne, %convert_element_type3A_127, %cond3A_128 : i32
      scf.if %cond3A_129 {
        %sub3A_196 = arith.constant 2 : i32
        %sub3A_197 = arith.subi %add3A_118, %sub3A_196 : i32
        %mul3A_198 = arith.constant 128 : i32
        %mul3A_199 = arith.muli %sub3A_197, %mul3A_198 : i32
        %dma_wait3A_200 = arith.constant 0 : i32
        %dma_wait3A_201 = tpu.memref_slice %arg5[%mul3A_199, %dma_wait3A_200] : memref<204800x64xf32, #tpu.memory_space<hbm>> -> memref<128x64xf32, #tpu.memory_space<hbm>>
        %dma_wait3A_202 = arith.constant 0 : i32
        %dma_wait3A_203 = tpu.memref_slice %arg5[%mul3A_199, %dma_wait3A_202] : memref<204800x64xf32, #tpu.memory_space<hbm>> -> memref<128x64xf32, #tpu.memory_space<hbm>>
        tpu.wait_dma2 semaphore(%arg15 : memref<!tpu.dma_semaphore, #tpu.memory_space<semaphore_mem>>) src(%arg10 : memref<128x64xf32, #tpu.memory_space<vmem>>) dst(%dma_wait3A_203 : memref<128x64xf32, #tpu.memory_space<hbm>>)
      } else {
      }
      %jit3A_130 = arith.constant 8 : i32
      %div3A_131 = arith.divsi %add3A_118, %jit3A_130 : i32
      %sign3A_132 = arith.constant 0 : i32
      %sign3A_133 = arith.cmpi sgt, %add3A_118, %sign3A_132 : i32
      %sign3A_134 = arith.extui %sign3A_133 : i1 to i32
      %sign3A_135 = arith.constant 0 : i32
      %sign3A_136 = arith.cmpi slt, %add3A_118, %sign3A_135 : i32
      %sign3A_137 = arith.extui %sign3A_136 : i1 to i32
      %sign3A_138 = arith.subi %sign3A_134, %sign3A_137 : i32
      %sign3A_139 = arith.constant 0 : i32
      %sign3A_140 = arith.cmpi sgt, %jit3A_130, %sign3A_139 : i32
      %sign3A_141 = arith.extui %sign3A_140 : i1 to i32
      %sign3A_142 = arith.constant 0 : i32
      %sign3A_143 = arith.cmpi slt, %jit3A_130, %sign3A_142 : i32
      %sign3A_144 = arith.extui %sign3A_143 : i1 to i32
      %sign3A_145 = arith.subi %sign3A_141, %sign3A_144 : i32
      %ne3A_146 = arith.cmpi ne, %sign3A_138, %sign3A_145 : i32
      %rem3A_147 = arith.remsi %add3A_118, %jit3A_130 : i32
      %ne3A_148 = arith.constant 0 : i32
      %ne3A_149 = arith.cmpi ne, %rem3A_147, %ne3A_148 : i32
      %and3A_150 = arith.andi %ne3A_146, %ne3A_149 : i1
      %sub3A_151 = arith.constant 1 : i32
      %sub3A_152 = arith.subi %div3A_131, %sub3A_151 : i32
      %select_n3A_153 = arith.select %and3A_150, %sub3A_152, %div3A_131 : i32
      %mul3A_154 = arith.constant 64 : i32
      %mul3A_155 = arith.muli %select_n3A_153, %mul3A_154 : i32
      %add3A_156 = arith.constant 0 : i32
      %add3A_157 = arith.addi %mul3A_155, %add3A_156 : i32
      %get3A_158 = arith.index_cast %add3A_157 : i32 to index
      %get3A_159 = tpu.vector_load %arg11[%get3A_158] {strides = array<i32>} : memref<12800xf32, #tpu.memory_space<vmem>>, vector<16xf32>,
      %get3A_160 = vector.shape_cast %get3A_159 : vector<16xf32> to vector<16xf32>
      %add3A_161 = arith.constant 16 : i32
      %add3A_162 = arith.addi %mul3A_155, %add3A_161 : i32
      %get3A_163 = arith.index_cast %add3A_162 : i32 to index
      %get3A_164 = tpu.vector_load %arg11[%get3A_163] {strides = array<i32>} : memref<12800xf32, #tpu.memory_space<vmem>>, vector<16xf32>,
      %get3A_165 = vector.shape_cast %get3A_164 : vector<16xf32> to vector<16xf32>
      %add3A_166 = arith.constant 32 : i32
      %add3A_167 = arith.addi %mul3A_155, %add3A_166 : i32
      %get3A_168 = arith.index_cast %add3A_167 : i32 to index
      %get3A_169 = tpu.vector_load %arg11[%get3A_168] {strides = array<i32>} : memref<12800xf32, #tpu.memory_space<vmem>>, vector<16xf32>,
      %get3A_170 = vector.shape_cast %get3A_169 : vector<16xf32> to vector<16xf32>
      %add3A_171 = arith.constant 48 : i32
      %add3A_172 = arith.addi %mul3A_155, %add3A_171 : i32
      %get3A_173 = arith.index_cast %add3A_172 : i32 to index
      %get3A_174 = tpu.vector_load %arg11[%get3A_173] {strides = array<i32>} : memref<12800xf32, #tpu.memory_space<vmem>>, vector<16xf32>,
      %get3A_175 = vector.shape_cast %get3A_174 : vector<16xf32> to vector<16xf32>
      %scan3A_176 = arith.constant 0 : i32
      %scan3A_177 = arith.constant 0 : i32
      %scan3A_178 = arith.constant 32 : i32
      %scan3A_179 = arith.addi %scan3A_177, %scan3A_178 : i32
      %scan3A_180 = arith.constant 1 : i32
      %scan3A_181 = scf.for %scan3A_196 = %scan3A_177 to %scan3A_179 step %scan3A_180 iter_args(%scan3A_197 = %scan3A_176) -> (i32)  : i32 {
        %mul3A_198 = arith.constant 4 : i32
        %mul3A_199 = arith.muli %scan3A_196, %mul3A_198 : i32
        %add3A_200 = arith.constant 0 : i32
        %add3A_201 = arith.addi %mul3A_199, %add3A_200 : i32
        %get3A_202 = arith.index_cast %add3A_201 : i32 to index
        %get3A_203 = arith.constant 0 : index
        %get3A_204 = tpu.vector_load %arg8[%get3A_202, %get3A_203] {strides = array<i32>} : memref<128x64xf32, #tpu.memory_space<vmem>>, vector<1x16xf32>,
        %get3A_205 = vector.shape_cast %get3A_204 : vector<1x16xf32> to vector<16xf32>
        %mul3A_206 = arith.constant 8.000000e+00 : f32
        %mul3A_207 = vector.broadcast %mul3A_206 : f32 to vector<16xf32>
        %mul3A_208 = arith.mulf %get3A_205, %mul3A_207 : vector<16xf32>
        %add3A_209 = arith.addf %mul3A_208, %get3A_160 : vector<16xf32>
        %swap3A = arith.index_cast %add3A_201 : i32 to index
        %swap3A_210 = arith.constant 0 : index
        %swap3A_211 = tpu.vector_load %arg10[%swap3A, %swap3A_210] {strides = array<i32>} : memref<128x64xf32, #tpu.memory_space<vmem>>, vector<1x16xf32>,
        %swap3A_212 = vector.shape_cast %swap3A_211 : vector<1x16xf32> to vector<16xf32>
        %swap3A_213 = vector.shape_cast %add3A_209 : vector<16xf32> to vector<1x16xf32>
        tpu.vector_store %arg10[%swap3A, %swap3A_210], %swap3A_213 {strides = array<i32>} : memref<128x64xf32, #tpu.memory_space<vmem>>, vector<1x16xf32>,
        %get3A_214 = arith.index_cast %add3A_201 : i32 to index
        %get3A_215 = arith.constant 16 : index
        %get3A_216 = tpu.vector_load %arg8[%get3A_214, %get3A_215] {strides = array<i32>} : memref<128x64xf32, #tpu.memory_space<vmem>>, vector<1x16xf32>,
        %get3A_217 = vector.shape_cast %get3A_216 : vector<1x16xf32> to vector<16xf32>
        %mul3A_218 = arith.constant 8.000000e+00 : f32
        %mul3A_219 = vector.broadcast %mul3A_218 : f32 to vector<16xf32>
        %mul3A_220 = arith.mulf %get3A_217, %mul3A_219 : vector<16xf32>
        %add3A_221 = arith.addf %mul3A_220, %get3A_165 : vector<16xf32>
        %swap3A_222 = arith.index_cast %add3A_201 : i32 to index
        %swap3A_223 = arith.constant 16 : index
        %swap3A_224 = tpu.vector_load %arg10[%swap3A_222, %swap3A_223] {strides = array<i32>} : memref<128x64xf32, #tpu.memory_space<vmem>>, vector<1x16xf32>,
        %swap3A_225 = vector.shape_cast %swap3A_224 : vector<1x16xf32> to vector<16xf32>
        %swap3A_226 = vector.shape_cast %add3A_221 : vector<16xf32> to vector<1x16xf32>
        tpu.vector_store %arg10[%swap3A_222, %swap3A_223], %swap3A_226 {strides = array<i32>} : memref<128x64xf32, #tpu.memory_space<vmem>>, vector<1x16xf32>,
        %get3A_227 = arith.index_cast %add3A_201 : i32 to index
        %get3A_228 = arith.constant 32 : index
        %get3A_229 = tpu.vector_load %arg8[%get3A_227, %get3A_228] {strides = array<i32>} : memref<128x64xf32, #tpu.memory_space<vmem>>, vector<1x16xf32>,
        %get3A_230 = vector.shape_cast %get3A_229 : vector<1x16xf32> to vector<16xf32>
        %mul3A_231 = arith.constant 8.000000e+00 : f32
        %mul3A_232 = vector.broadcast %mul3A_231 : f32 to vector<16xf32>
        %mul3A_233 = arith.mulf %get3A_230, %mul3A_232 : vector<16xf32>
        %add3A_234 = arith.addf %mul3A_233, %get3A_170 : vector<16xf32>
        %swap3A_235 = arith.index_cast %add3A_201 : i32 to index
        %swap3A_236 = arith.constant 32 : index
        %swap3A_237 = tpu.vector_load %arg10[%swap3A_235, %swap3A_236] {strides = array<i32>} : memref<128x64xf32, #tpu.memory_space<vmem>>, vector<1x16xf32>,
        %swap3A_238 = vector.shape_cast %swap3A_237 : vector<1x16xf32> to vector<16xf32>
        %swap3A_239 = vector.shape_cast %add3A_234 : vector<16xf32> to vector<1x16xf32>
        tpu.vector_store %arg10[%swap3A_235, %swap3A_236], %swap3A_239 {strides = array<i32>} : memref<128x64xf32, #tpu.memory_space<vmem>>, vector<1x16xf32>,
        %get3A_240 = arith.index_cast %add3A_201 : i32 to index
        %get3A_241 = arith.constant 48 : index
        %get3A_242 = tpu.vector_load %arg8[%get3A_240, %get3A_241] {strides = array<i32>} : memref<128x64xf32, #tpu.memory_space<vmem>>, vector<1x16xf32>,
        %get3A_243 = vector.shape_cast %get3A_242 : vector<1x16xf32> to vector<16xf32>
        %mul3A_244 = arith.constant 8.000000e+00 : f32
        %mul3A_245 = vector.broadcast %mul3A_244 : f32 to vector<16xf32>
        %mul3A_246 = arith.mulf %get3A_243, %mul3A_245 : vector<16xf32>
        %add3A_247 = arith.addf %mul3A_246, %get3A_175 : vector<16xf32>
        %swap3A_248 = arith.index_cast %add3A_201 : i32 to index
        %swap3A_249 = arith.constant 48 : index
        %swap3A_250 = tpu.vector_load %arg10[%swap3A_248, %swap3A_249] {strides = array<i32>} : memref<128x64xf32, #tpu.memory_space<vmem>>, vector<1x16xf32>,
        %swap3A_251 = vector.shape_cast %swap3A_250 : vector<1x16xf32> to vector<16xf32>
        %swap3A_252 = vector.shape_cast %add3A_247 : vector<16xf32> to vector<1x16xf32>
        tpu.vector_store %arg10[%swap3A_248, %swap3A_249], %swap3A_252 {strides = array<i32>} : memref<128x64xf32, #tpu.memory_space<vmem>>, vector<1x16xf32>,
        %mul3A_253 = arith.constant 4 : i32
        %mul3A_254 = arith.muli %scan3A_196, %mul3A_253 : i32
        %add3A_255 = arith.constant 1 : i32
        %add3A_256 = arith.addi %mul3A_254, %add3A_255 : i32
        %get3A_257 = arith.index_cast %add3A_256 : i32 to index
        %get3A_258 = arith.constant 0 : index
        %get3A_259 = tpu.vector_load %arg8[%get3A_257, %get3A_258] {strides = array<i32>} : memref<128x64xf32, #tpu.memory_space<vmem>>, vector<1x16xf32>,
        %get3A_260 = vector.shape_cast %get3A_259 : vector<1x16xf32> to vector<16xf32>
        %mul3A_261 = arith.constant 8.000000e+00 : f32
        %mul3A_262 = vector.broadcast %mul3A_261 : f32 to vector<16xf32>
        %mul3A_263 = arith.mulf %get3A_260, %mul3A_262 : vector<16xf32>
        %add3A_264 = arith.addf %mul3A_263, %get3A_160 : vector<16xf32>
        %swap3A_265 = arith.index_cast %add3A_256 : i32 to index
        %swap3A_266 = arith.constant 0 : index
        %swap3A_267 = tpu.vector_load %arg10[%swap3A_265, %swap3A_266] {strides = array<i32>} : memref<128x64xf32, #tpu.memory_space<vmem>>, vector<1x16xf32>,
        %swap3A_268 = vector.shape_cast %swap3A_267 : vector<1x16xf32> to vector<16xf32>
        %swap3A_269 = vector.shape_cast %add3A_264 : vector<16xf32> to vector<1x16xf32>
        tpu.vector_store %arg10[%swap3A_265, %swap3A_266], %swap3A_269 {strides = array<i32>} : memref<128x64xf32, #tpu.memory_space<vmem>>, vector<1x16xf32>,
        %get3A_270 = arith.index_cast %add3A_256 : i32 to index
        %get3A_271 = arith.constant 16 : index
        %get3A_272 = tpu.vector_load %arg8[%get3A_270, %get3A_271] {strides = array<i32>} : memref<128x64xf32, #tpu.memory_space<vmem>>, vector<1x16xf32>,
        %get3A_273 = vector.shape_cast %get3A_272 : vector<1x16xf32> to vector<16xf32>
        %mul3A_274 = arith.constant 8.000000e+00 : f32
        %mul3A_275 = vector.broadcast %mul3A_274 : f32 to vector<16xf32>
        %mul3A_276 = arith.mulf %get3A_273, %mul3A_275 : vector<16xf32>
        %add3A_277 = arith.addf %mul3A_276, %get3A_165 : vector<16xf32>
        %swap3A_278 = arith.index_cast %add3A_256 : i32 to index
        %swap3A_279 = arith.constant 16 : index
        %swap3A_280 = tpu.vector_load %arg10[%swap3A_278, %swap3A_279] {strides = array<i32>} : memref<128x64xf32, #tpu.memory_space<vmem>>, vector<1x16xf32>,
        %swap3A_281 = vector.shape_cast %swap3A_280 : vector<1x16xf32> to vector<16xf32>
        %swap3A_282 = vector.shape_cast %add3A_277 : vector<16xf32> to vector<1x16xf32>
        tpu.vector_store %arg10[%swap3A_278, %swap3A_279], %swap3A_282 {strides = array<i32>} : memref<128x64xf32, #tpu.memory_space<vmem>>, vector<1x16xf32>,
        %get3A_283 = arith.index_cast %add3A_256 : i32 to index
        %get3A_284 = arith.constant 32 : index
        %get3A_285 = tpu.vector_load %arg8[%get3A_283, %get3A_284] {strides = array<i32>} : memref<128x64xf32, #tpu.memory_space<vmem>>, vector<1x16xf32>,
        %get3A_286 = vector.shape_cast %get3A_285 : vector<1x16xf32> to vector<16xf32>
        %mul3A_287 = arith.constant 8.000000e+00 : f32
        %mul3A_288 = vector.broadcast %mul3A_287 : f32 to vector<16xf32>
        %mul3A_289 = arith.mulf %get3A_286, %mul3A_288 : vector<16xf32>
        %add3A_290 = arith.addf %mul3A_289, %get3A_170 : vector<16xf32>
        %swap3A_291 = arith.index_cast %add3A_256 : i32 to index
        %swap3A_292 = arith.constant 32 : index
        %swap3A_293 = tpu.vector_load %arg10[%swap3A_291, %swap3A_292] {strides = array<i32>} : memref<128x64xf32, #tpu.memory_space<vmem>>, vector<1x16xf32>,
        %swap3A_294 = vector.shape_cast %swap3A_293 : vector<1x16xf32> to vector<16xf32>
        %swap3A_295 = vector.shape_cast %add3A_290 : vector<16xf32> to vector<1x16xf32>
        tpu.vector_store %arg10[%swap3A_291, %swap3A_292], %swap3A_295 {strides = array<i32>} : memref<128x64xf32, #tpu.memory_space<vmem>>, vector<1x16xf32>,
        %get3A_296 = arith.index_cast %add3A_256 : i32 to index
        %get3A_297 = arith.constant 48 : index
        %get3A_298 = tpu.vector_load %arg8[%get3A_296, %get3A_297] {strides = array<i32>} : memref<128x64xf32, #tpu.memory_space<vmem>>, vector<1x16xf32>,
        %get3A_299 = vector.shape_cast %get3A_298 : vector<1x16xf32> to vector<16xf32>
        %mul3A_300 = arith.constant 8.000000e+00 : f32
        %mul3A_301 = vector.broadcast %mul3A_300 : f32 to vector<16xf32>
        %mul3A_302 = arith.mulf %get3A_299, %mul3A_301 : vector<16xf32>
        %add3A_303 = arith.addf %mul3A_302, %get3A_175 : vector<16xf32>
        %swap3A_304 = arith.index_cast %add3A_256 : i32 to index
        %swap3A_305 = arith.constant 48 : index
        %swap3A_306 = tpu.vector_load %arg10[%swap3A_304, %swap3A_305] {strides = array<i32>} : memref<128x64xf32, #tpu.memory_space<vmem>>, vector<1x16xf32>,
        %swap3A_307 = vector.shape_cast %swap3A_306 : vector<1x16xf32> to vector<16xf32>
        %swap3A_308 = vector.shape_cast %add3A_303 : vector<16xf32> to vector<1x16xf32>
        tpu.vector_store %arg10[%swap3A_304, %swap3A_305], %swap3A_308 {strides = array<i32>} : memref<128x64xf32, #tpu.memory_space<vmem>>, vector<1x16xf32>,
        %mul3A_309 = arith.constant 4 : i32
        %mul3A_310 = arith.muli %scan3A_196, %mul3A_309 : i32
        %add3A_311 = arith.constant 2 : i32
        %add3A_312 = arith.addi %mul3A_310, %add3A_311 : i32
        %get3A_313 = arith.index_cast %add3A_312 : i32 to index
        %get3A_314 = arith.constant 0 : index
        %get3A_315 = tpu.vector_load %arg8[%get3A_313, %get3A_314] {strides = array<i32>} : memref<128x64xf32, #tpu.memory_space<vmem>>, vector<1x16xf32>,
        %get3A_316 = vector.shape_cast %get3A_315 : vector<1x16xf32> to vector<16xf32>
        %mul3A_317 = arith.constant 8.000000e+00 : f32
        %mul3A_318 = vector.broadcast %mul3A_317 : f32 to vector<16xf32>
        %mul3A_319 = arith.mulf %get3A_316, %mul3A_318 : vector<16xf32>
        %add3A_320 = arith.addf %mul3A_319, %get3A_160 : vector<16xf32>
        %swap3A_321 = arith.index_cast %add3A_312 : i32 to index
        %swap3A_322 = arith.constant 0 : index
        %swap3A_323 = tpu.vector_load %arg10[%swap3A_321, %swap3A_322] {strides = array<i32>} : memref<128x64xf32, #tpu.memory_space<vmem>>, vector<1x16xf32>,
        %swap3A_324 = vector.shape_cast %swap3A_323 : vector<1x16xf32> to vector<16xf32>
        %swap3A_325 = vector.shape_cast %add3A_320 : vector<16xf32> to vector<1x16xf32>
        tpu.vector_store %arg10[%swap3A_321, %swap3A_322], %swap3A_325 {strides = array<i32>} : memref<128x64xf32, #tpu.memory_space<vmem>>, vector<1x16xf32>,
        %get3A_326 = arith.index_cast %add3A_312 : i32 to index
        %get3A_327 = arith.constant 16 : index
        %get3A_328 = tpu.vector_load %arg8[%get3A_326, %get3A_327] {strides = array<i32>} : memref<128x64xf32, #tpu.memory_space<vmem>>, vector<1x16xf32>,
        %get3A_329 = vector.shape_cast %get3A_328 : vector<1x16xf32> to vector<16xf32>
        %mul3A_330 = arith.constant 8.000000e+00 : f32
        %mul3A_331 = vector.broadcast %mul3A_330 : f32 to vector<16xf32>
        %mul3A_332 = arith.mulf %get3A_329, %mul3A_331 : vector<16xf32>
        %add3A_333 = arith.addf %mul3A_332, %get3A_165 : vector<16xf32>
        %swap3A_334 = arith.index_cast %add3A_312 : i32 to index
        %swap3A_335 = arith.constant 16 : index
        %swap3A_336 = tpu.vector_load %arg10[%swap3A_334, %swap3A_335] {strides = array<i32>} : memref<128x64xf32, #tpu.memory_space<vmem>>, vector<1x16xf32>,
        %swap3A_337 = vector.shape_cast %swap3A_336 : vector<1x16xf32> to vector<16xf32>
        %swap3A_338 = vector.shape_cast %add3A_333 : vector<16xf32> to vector<1x16xf32>
        tpu.vector_store %arg10[%swap3A_334, %swap3A_335], %swap3A_338 {strides = array<i32>} : memref<128x64xf32, #tpu.memory_space<vmem>>, vector<1x16xf32>,
        %get3A_339 = arith.index_cast %add3A_312 : i32 to index
        %get3A_340 = arith.constant 32 : index
        %get3A_341 = tpu.vector_load %arg8[%get3A_339, %get3A_340] {strides = array<i32>} : memref<128x64xf32, #tpu.memory_space<vmem>>, vector<1x16xf32>,
        %get3A_342 = vector.shape_cast %get3A_341 : vector<1x16xf32> to vector<16xf32>
        %mul3A_343 = arith.constant 8.000000e+00 : f32
        %mul3A_344 = vector.broadcast %mul3A_343 : f32 to vector<16xf32>
        %mul3A_345 = arith.mulf %get3A_342, %mul3A_344 : vector<16xf32>
        %add3A_346 = arith.addf %mul3A_345, %get3A_170 : vector<16xf32>
        %swap3A_347 = arith.index_cast %add3A_312 : i32 to index
        %swap3A_348 = arith.constant 32 : index
        %swap3A_349 = tpu.vector_load %arg10[%swap3A_347, %swap3A_348] {strides = array<i32>} : memref<128x64xf32, #tpu.memory_space<vmem>>, vector<1x16xf32>,
        %swap3A_350 = vector.shape_cast %swap3A_349 : vector<1x16xf32> to vector<16xf32>
        %swap3A_351 = vector.shape_cast %add3A_346 : vector<16xf32> to vector<1x16xf32>
        tpu.vector_store %arg10[%swap3A_347, %swap3A_348], %swap3A_351 {strides = array<i32>} : memref<128x64xf32, #tpu.memory_space<vmem>>, vector<1x16xf32>,
        %get3A_352 = arith.index_cast %add3A_312 : i32 to index
        %get3A_353 = arith.constant 48 : index
        %get3A_354 = tpu.vector_load %arg8[%get3A_352, %get3A_353] {strides = array<i32>} : memref<128x64xf32, #tpu.memory_space<vmem>>, vector<1x16xf32>,
        %get3A_355 = vector.shape_cast %get3A_354 : vector<1x16xf32> to vector<16xf32>
        %mul3A_356 = arith.constant 8.000000e+00 : f32
        %mul3A_357 = vector.broadcast %mul3A_356 : f32 to vector<16xf32>
        %mul3A_358 = arith.mulf %get3A_355, %mul3A_357 : vector<16xf32>
        %add3A_359 = arith.addf %mul3A_358, %get3A_175 : vector<16xf32>
        %swap3A_360 = arith.index_cast %add3A_312 : i32 to index
        %swap3A_361 = arith.constant 48 : index
        %swap3A_362 = tpu.vector_load %arg10[%swap3A_360, %swap3A_361] {strides = array<i32>} : memref<128x64xf32, #tpu.memory_space<vmem>>, vector<1x16xf32>,
        %swap3A_363 = vector.shape_cast %swap3A_362 : vector<1x16xf32> to vector<16xf32>
        %swap3A_364 = vector.shape_cast %add3A_359 : vector<16xf32> to vector<1x16xf32>
        tpu.vector_store %arg10[%swap3A_360, %swap3A_361], %swap3A_364 {strides = array<i32>} : memref<128x64xf32, #tpu.memory_space<vmem>>, vector<1x16xf32>,
        %mul3A_365 = arith.constant 4 : i32
        %mul3A_366 = arith.muli %scan3A_196, %mul3A_365 : i32
        %add3A_367 = arith.constant 3 : i32
        %add3A_368 = arith.addi %mul3A_366, %add3A_367 : i32
        %get3A_369 = arith.index_cast %add3A_368 : i32 to index
        %get3A_370 = arith.constant 0 : index
        %get3A_371 = tpu.vector_load %arg8[%get3A_369, %get3A_370] {strides = array<i32>} : memref<128x64xf32, #tpu.memory_space<vmem>>, vector<1x16xf32>,
        %get3A_372 = vector.shape_cast %get3A_371 : vector<1x16xf32> to vector<16xf32>
        %mul3A_373 = arith.constant 8.000000e+00 : f32
        %mul3A_374 = vector.broadcast %mul3A_373 : f32 to vector<16xf32>
        %mul3A_375 = arith.mulf %get3A_372, %mul3A_374 : vector<16xf32>
        %add3A_376 = arith.addf %mul3A_375, %get3A_160 : vector<16xf32>
        %swap3A_377 = arith.index_cast %add3A_368 : i32 to index
        %swap3A_378 = arith.constant 0 : index
        %swap3A_379 = tpu.vector_load %arg10[%swap3A_377, %swap3A_378] {strides = array<i32>} : memref<128x64xf32, #tpu.memory_space<vmem>>, vector<1x16xf32>,
        %swap3A_380 = vector.shape_cast %swap3A_379 : vector<1x16xf32> to vector<16xf32>
        %swap3A_381 = vector.shape_cast %add3A_376 : vector<16xf32> to vector<1x16xf32>
        tpu.vector_store %arg10[%swap3A_377, %swap3A_378], %swap3A_381 {strides = array<i32>} : memref<128x64xf32, #tpu.memory_space<vmem>>, vector<1x16xf32>,
        %get3A_382 = arith.index_cast %add3A_368 : i32 to index
        %get3A_383 = arith.constant 16 : index
        %get3A_384 = tpu.vector_load %arg8[%get3A_382, %get3A_383] {strides = array<i32>} : memref<128x64xf32, #tpu.memory_space<vmem>>, vector<1x16xf32>,
        %get3A_385 = vector.shape_cast %get3A_384 : vector<1x16xf32> to vector<16xf32>
        %mul3A_386 = arith.constant 8.000000e+00 : f32
        %mul3A_387 = vector.broadcast %mul3A_386 : f32 to vector<16xf32>
        %mul3A_388 = arith.mulf %get3A_385, %mul3A_387 : vector<16xf32>
        %add3A_389 = arith.addf %mul3A_388, %get3A_165 : vector<16xf32>
        %swap3A_390 = arith.index_cast %add3A_368 : i32 to index
        %swap3A_391 = arith.constant 16 : index
        %swap3A_392 = tpu.vector_load %arg10[%swap3A_390, %swap3A_391] {strides = array<i32>} : memref<128x64xf32, #tpu.memory_space<vmem>>, vector<1x16xf32>,
        %swap3A_393 = vector.shape_cast %swap3A_392 : vector<1x16xf32> to vector<16xf32>
        %swap3A_394 = vector.shape_cast %add3A_389 : vector<16xf32> to vector<1x16xf32>
        tpu.vector_store %arg10[%swap3A_390, %swap3A_391], %swap3A_394 {strides = array<i32>} : memref<128x64xf32, #tpu.memory_space<vmem>>, vector<1x16xf32>,
        %get3A_395 = arith.index_cast %add3A_368 : i32 to index
        %get3A_396 = arith.constant 32 : index
        %get3A_397 = tpu.vector_load %arg8[%get3A_395, %get3A_396] {strides = array<i32>} : memref<128x64xf32, #tpu.memory_space<vmem>>, vector<1x16xf32>,
        %get3A_398 = vector.shape_cast %get3A_397 : vector<1x16xf32> to vector<16xf32>
        %mul3A_399 = arith.constant 8.000000e+00 : f32
        %mul3A_400 = vector.broadcast %mul3A_399 : f32 to vector<16xf32>
        %mul3A_401 = arith.mulf %get3A_398, %mul3A_400 : vector<16xf32>
        %add3A_402 = arith.addf %mul3A_401, %get3A_170 : vector<16xf32>
        %swap3A_403 = arith.index_cast %add3A_368 : i32 to index
        %swap3A_404 = arith.constant 32 : index
        %swap3A_405 = tpu.vector_load %arg10[%swap3A_403, %swap3A_404] {strides = array<i32>} : memref<128x64xf32, #tpu.memory_space<vmem>>, vector<1x16xf32>,
        %swap3A_406 = vector.shape_cast %swap3A_405 : vector<1x16xf32> to vector<16xf32>
        %swap3A_407 = vector.shape_cast %add3A_402 : vector<16xf32> to vector<1x16xf32>
        tpu.vector_store %arg10[%swap3A_403, %swap3A_404], %swap3A_407 {strides = array<i32>} : memref<128x64xf32, #tpu.memory_space<vmem>>, vector<1x16xf32>,
        %get3A_408 = arith.index_cast %add3A_368 : i32 to index
        %get3A_409 = arith.constant 48 : index
        %get3A_410 = tpu.vector_load %arg8[%get3A_408, %get3A_409] {strides = array<i32>} : memref<128x64xf32, #tpu.memory_space<vmem>>, vector<1x16xf32>,
        %get3A_411 = vector.shape_cast %get3A_410 : vector<1x16xf32> to vector<16xf32>
        %mul3A_412 = arith.constant 8.000000e+00 : f32
        %mul3A_413 = vector.broadcast %mul3A_412 : f32 to vector<16xf32>
        %mul3A_414 = arith.mulf %get3A_411, %mul3A_413 : vector<16xf32>
        %add3A_415 = arith.addf %mul3A_414, %get3A_175 : vector<16xf32>
        %swap3A_416 = arith.index_cast %add3A_368 : i32 to index
        %swap3A_417 = arith.constant 48 : index
        %swap3A_418 = tpu.vector_load %arg10[%swap3A_416, %swap3A_417] {strides = array<i32>} : memref<128x64xf32, #tpu.memory_space<vmem>>, vector<1x16xf32>,
        %swap3A_419 = vector.shape_cast %swap3A_418 : vector<1x16xf32> to vector<16xf32>
        %swap3A_420 = vector.shape_cast %add3A_415 : vector<16xf32> to vector<1x16xf32>
        tpu.vector_store %arg10[%swap3A_416, %swap3A_417], %swap3A_420 {strides = array<i32>} : memref<128x64xf32, #tpu.memory_space<vmem>>, vector<1x16xf32>,
        %scan3A_421 = arith.constant 0 : i32
        scf.yield %scan3A_421 : i32
      }
      %scan3A_182 = arith.constant 32 : i32
      %mul3A_183 = arith.constant 128 : i32
      %mul3A_184 = arith.muli %add3A_118, %mul3A_183 : i32
      %dma_start3A_185 = arith.constant 0 : i32
      %dma_start3A_186 = tpu.memref_slice %arg5[%mul3A_184, %dma_start3A_185] : memref<204800x64xf32, #tpu.memory_space<hbm>> -> memref<128x64xf32, #tpu.memory_space<hbm>>
      %dma_start3A_187 = arith.constant 0 : i32
      %dma_start3A_188 = tpu.memref_slice %arg5[%mul3A_184, %dma_start3A_187] : memref<204800x64xf32, #tpu.memory_space<hbm>> -> memref<128x64xf32, #tpu.memory_space<hbm>>
      tpu.enqueue_dma source(%arg10 : memref<128x64xf32, #tpu.memory_space<vmem>>) target(%dma_start3A_188 : memref<128x64xf32, #tpu.memory_space<hbm>>) target_semaphore(%arg15 : memref<!tpu.dma_semaphore, #tpu.memory_space<semaphore_mem>>)
      %add3A_189 = arith.constant 2 : i32
      %add3A_190 = arith.addi %add3A_117, %add3A_189 : i32
      %lt3A_191 = arith.constant 50 : i32
      %lt3A_192 = arith.cmpi slt, %add3A_190, %lt3A_191 : i32
      %convert_element_type3A_193 = arith.extui %lt3A_192 : i1 to i32
      %cond3A_194 = arith.constant 0 : i32
      %cond3A_195 = arith.cmpi ne, %convert_element_type3A_193, %cond3A_194 : i32
      scf.if %cond3A_195 {
        %add3A_196 = arith.constant 2 : i32
        %add3A_197 = arith.addi %add3A_117, %add3A_196 : i32
        %dma_start3A_198 = arith.constant 0 : i32
        %dma_start3A_199 = tpu.memref_slice %arg6[%add3A_197, %dma_start3A_198] : memref<50x128xi32, #tpu.memory_space<vmem>> -> memref<1x128xi32, #tpu.memory_space<vmem>>
        %dma_start3A_200 = tpu.memref_squeeze %dma_start3A_199 : memref<1x128xi32, #tpu.memory_space<vmem>> -> memref<128xi32, #tpu.memory_space<vmem>>
        %dma_start3A_201 = arith.constant 0 : i32
        %dma_start3A_202 = arith.constant 0 : i32
        %dma_start3A_203 = tpu.memref_slice %arg3[%dma_start3A_201, %dma_start3A_202] : memref<1000000x64xf32, #tpu.memory_space<hbm>> -> memref<1000000x64xf32, #tpu.memory_space<hbm>>
        tpu.enqueue_indirect_dma source(%dma_start3A_203 : memref<1000000x64xf32, #tpu.memory_space<hbm>>) target(%arg8 : memref<128x64xf32, #tpu.memory_space<vmem>>) offsets(%dma_start3A_200 : memref<128xi32, #tpu.memory_space<vmem>>) semaphore(%arg13 : memref<!tpu.dma_semaphore, #tpu.memory_space<semaphore_mem>>)
      } else {
      }
    }
    %scan3A_20 = arith.constant 25 : i32
    %add3A_21 = arith.constant 50 : i32
    %add3A_22 = arith.addi %mul3A_2, %add3A_21 : i32
    %sub3A = arith.constant 2 : i32
    %sub3A_23 = arith.subi %add3A_22, %sub3A : i32
    %add3A_24 = arith.constant 0 : i32
    %add3A_25 = arith.addi %sub3A_23, %add3A_24 : i32
    %mul3A_26 = arith.constant 128 : i32
    %mul3A_27 = arith.muli %add3A_25, %mul3A_26 : i32
    %dma_wait3A = arith.constant 0 : i32
    %dma_wait3A_28 = tpu.memref_slice %arg5[%mul3A_27, %dma_wait3A] : memref<204800x64xf32, #tpu.memory_space<hbm>> -> memref<128x64xf32, #tpu.memory_space<hbm>>
    %dma_wait3A_29 = arith.constant 0 : i32
    %dma_wait3A_30 = tpu.memref_slice %arg5[%mul3A_27, %dma_wait3A_29] : memref<204800x64xf32, #tpu.memory_space<hbm>> -> memref<128x64xf32, #tpu.memory_space<hbm>>
    tpu.wait_dma2 semaphore(%arg14 : memref<!tpu.dma_semaphore, #tpu.memory_space<semaphore_mem>>) src(%arg9 : memref<128x64xf32, #tpu.memory_space<vmem>>) dst(%dma_wait3A_30 : memref<128x64xf32, #tpu.memory_space<hbm>>)
    %add3A_31 = arith.constant 50 : i32
    %add3A_32 = arith.addi %mul3A_2, %add3A_31 : i32
    %sub3A_33 = arith.constant 2 : i32
    %sub3A_34 = arith.subi %add3A_32, %sub3A_33 : i32
    %add3A_35 = arith.constant 1 : i32
    %add3A_36 = arith.addi %sub3A_34, %add3A_35 : i32
    %mul3A_37 = arith.constant 128 : i32
    %mul3A_38 = arith.muli %add3A_36, %mul3A_37 : i32
    %dma_wait3A_39 = arith.constant 0 : i32
    %dma_wait3A_40 = tpu.memref_slice %arg5[%mul3A_38, %dma_wait3A_39] : memref<204800x64xf32, #tpu.memory_space<hbm>> -> memref<128x64xf32, #tpu.memory_space<hbm>>
    %dma_wait3A_41 = arith.constant 0 : i32
    %dma_wait3A_42 = tpu.memref_slice %arg5[%mul3A_38, %dma_wait3A_41] : memref<204800x64xf32, #tpu.memory_space<hbm>> -> memref<128x64xf32, #tpu.memory_space<hbm>>
    tpu.wait_dma2 semaphore(%arg15 : memref<!tpu.dma_semaphore, #tpu.memory_space<semaphore_mem>>) src(%arg10 : memref<128x64xf32, #tpu.memory_space<vmem>>) dst(%dma_wait3A_42 : memref<128x64xf32, #tpu.memory_space<hbm>>)
    return
  }
}

</mosaic_0001>

<sc_bundles>
// kernel: _emb_pe.3.cloned.1.call-start
scs
__scs_entry_jumppad:
0x0: {  	(pc) =	sbr.rel $0x88, $3  }
0x1: {  	(tag) =	ssettag $0x0;
	lr =	simm.s32 $0x1  }
0x2: {  	[smem:$0x3F9E] =	sst lr;
	_ =	strace $0xD0000000  }
0x3: {  	_ = 	snop  }
0x4: {  	_ = 	snop  }
0x5: {  	_ = 	snop  }
0x6: {  	_ = 	snop  }
0x7: {  	_ = 	snop  }
__scs_overlays_trampoline_lowered:
0x8: {  	[smem:$0x3FAD] =	sst s0  }
0x9: {  	[smem:$0x3FAE] =	sst s1  }
0xa: {  	[smem:$0x3FAF] =	sst s2  }
0xb: {  	[smem:$0x3FB0] =	sst s3  }
0xc: {  	[smem:$0x3FB1] =	sst s4  }
0xd: {  	[smem:$0x3FB2] =	sst s5  }
0xe: {  	[smem:$0x3FB3] =	sst s6  }
0xf: {  	[smem:$0x3FB4] =	sst s7  }
0x10: {  	[smem:$0x3FB5] =	sst s8  }
0x11: {  	[smem:$0x3FB6] =	sst s9;
	s0 =	simm.s32 @!p0 $0x0  }
0x12: {  	s1 =	sld [smem:$0x3F9C];
	s0 =	simm.s32 @p0 $0x1  }
0x13: {  	[smem:$0x3FB7] =	sst s0;
	s0 =	simm.s32 @!p1 $0x0  }
0x14: {  	s2 =	sld [smem:$0x3F9B];
	s0 =	simm.s32 @p1 $0x1  }
0x15: {  	[smem:$0x3FB8] =	sst s0;
	s0 =	simm.s32 @!p2 $0x0  }
0x16: {  	s3 =	sld [smem:$0x3FDB];
	s0 =	simm.s32 @p2 $0x1  }
0x17: {  	s4 =	simm.s32 $0x1BF5;
	[smem:$0x3FBA] =	sst s0  }
0x18: {  	s0 =	sld [smem:$0x3F9D];
	_ =	swait.ge [sflag:s4], $0x0  }
0x19: {  	s7 =	sld [smem:$0x3F9E]  }
0x1a: {  	s8 =	sadd.s32 $0xFFFFE003, lr  }
0x1b: {  	s9 =	sadd.s32 $0xFFFFFEF7, lr;
	s5 =	simm.s32 $0xFFFFFFFF;
	p2 =	slt.u32 s8, $0xFFFFF086  }
0x1c: {  	p1 =	slt.u32 s9, $0xF7A;
	s5 =	simm.s32 @!p2 $0x0  }
0x1d: {  	s5 =	simm.s32 @p1 $0x1;
	p0 =	seq.s32 s7, s2  }
0x1e: {  	s7 =	smul.u32 @!p0 $0xF7A, s2;
	p2 =	seq.s32 @!p0 s5, $0x0  }
0x1f: {  	s9 =	smul.u32 $0xF7A, s1;
	s8 =	simm.s32 @!p0 $0x1BF5;
	p2 =	por !p2, p0  }
0x20: {  	[sflag:s8] =	ssyncset.s32 @!p0 $0xFFFFF086;
	s6 =	sadd.s32 @!p0 s3, s7;
	s7 =	simm.s32 @!p0 $0x108  }
0x21: {  	s3 =	sadd.s32 s3, s9;
	s6 =	sadd.s32 @!p0 $0x88, s6;
	s7 =	simm.s32 @p2 $0x1082  }
0x22: {  	[simem:s7], [sflag:s8] =	dma.local @!p0 [hbm:s6], $0xF7A  }
0x23: {  	s9 =	sor.u32 $0xD0000000, s2;
	s6 =	simm.s32 $0x108;
	_ =	swait.ge @!p0 [sflag:s8], $0x0  }
0x24: {  	s3 =	sadd.s32 $0x88, s3;
	s6 =	simm.s32 @!p1 $0x1082;
	[sflag:s4] =	ssyncset.s32 $0xFFFFF086  }
0x25: {  	[simem:s6], [sflag:s4] =	dma.local [hbm:s3], $0xF7A  }
0x26: {  	[smem:$0x3F9E] =	sst s1;
	(tag) =	ssettag s2;
	_ =	strace s9  }
0x27: {  	s1 =	sld [smem:$0x3FAE]  }
0x28: {  	s2 =	sld [smem:$0x3FAF]  }
0x29: {  	s4 =	sld [smem:$0x3FB1]  }
0x2a: {  	p0 =	seq.s32 s5, $0x0;
	s5 =	sld [smem:$0x3FB2]  }
0x2b: {  	s6 =	sld [smem:$0x3FB3]  }
0x2c: {  	s7 =	sld [smem:$0x3FB4]  }
0x2d: {  	s3 =	simm.s32 $0x108;
	s8 =	sld [smem:$0x3FB5]  }
0x2e: {  	s3 =	simm.s32 @!p0 $0x1082;
	s9 =	sld [smem:$0x3FB6]  }
0x2f: {  	lr =	sadd.s32 s0, s3;
	s0 =	sld [smem:$0x3FAD]  }
0x30: {  	s3 =	sld [smem:$0x3FB0]  }
0x31: {  	[smem:$0x3FB9] =	sst s10  }
0x32: {  	s10 =	sld [smem:$0x3FB7];
	_ =	sdelay $0x3  }
0x33: {  	p0 =	seq.s32 s10, $0x1;
	s10 =	sld [smem:$0x3FB9];
	_ =	sdelay $0x3  }
0x34: {  	[smem:$0x3FB9] =	sst s10  }
0x35: {  	s10 =	sld [smem:$0x3FB8];
	_ =	sdelay $0x3  }
0x36: {  	p1 =	seq.s32 s10, $0x1;
	s10 =	sld [smem:$0x3FB9];
	_ =	sdelay $0x3  }
0x37: {  	[smem:$0x3FB9] =	sst s10  }
0x38: {  	s10 =	sld [smem:$0x3FBA]  }
0x39: {  	_ = 	snop;
	(pc) =	sbr.ind lr, $3  }
0x3a: {  	_ = 	snop  }
0x3b: {  	_ = 	snop  }
0x3c: {  	p2 =	seq.s32 s10, $0x1;
	s10 =	sld [smem:$0x3FB9]  }
0x3d: {  	_ =	shalt  }
0x3e: {  	_ =	shalt  }
0x3f: {  	_ =	shalt  }
0x40: {  	_ =	shalt  }
0x41: {  	_ =	shalt  }
0x42: {  	_ =	shalt  }
0x43: {  	_ =	shalt  }
0x44: {  	_ =	shalt  }
0x45: {  	_ =	shalt  }
0x46: {  	_ =	shalt  }
0x47: {  	_ =	shalt  }
0x48: {  	_ =	shalt  }
0x49: {  	_ =	shalt  }
0x4a: {  	_ =	shalt  }
0x4b: {  	_ =	shalt  }
0x4c: {  	_ =	shalt  }
0x4d: {  	_ =	shalt  }
0x4e: {  	_ =	shalt  }
0x4f: {  	_ =	shalt  }
0x50: {  	_ =	shalt  }
0x51: {  	_ =	shalt  }
0x52: {  	_ =	shalt  }
0x53: {  	_ =	shalt  }
0x54: {  	_ =	shalt  }
0x55: {  	_ =	shalt  }
0x56: {  	_ =	shalt  }
0x57: {  	_ =	shalt  }
0x58: {  	_ =	shalt  }
0x59: {  	_ =	shalt  }
0x5a: {  	_ =	shalt  }
0x5b: {  	_ =	shalt  }
0x5c: {  	_ =	shalt  }
0x5d: {  	_ =	shalt  }
0x5e: {  	_ =	shalt  }
0x5f: {  	_ =	shalt  }
0x60: {  	_ =	shalt  }
0x61: {  	_ =	shalt  }
0x62: {  	_ =	shalt  }
0x63: {  	_ =	shalt  }
0x64: {  	_ =	shalt  }
0x65: {  	_ =	shalt  }
0x66: {  	_ =	shalt  }
0x67: {  	_ =	shalt  }
0x68: {  	_ =	shalt  }
0x69: {  	_ =	shalt  }
0x6a: {  	_ =	shalt  }
0x6b: {  	_ =	shalt  }
0x6c: {  	_ =	shalt  }
0x6d: {  	_ =	shalt  }
0x6e: {  	_ =	shalt  }
0x6f: {  	_ =	shalt  }
0x70: {  	_ =	shalt  }
0x71: {  	_ =	shalt  }
0x72: {  	_ =	shalt  }
0x73: {  	_ =	shalt  }
0x74: {  	_ =	shalt  }
0x75: {  	_ =	shalt  }
0x76: {  	_ =	shalt  }
0x77: {  	_ =	shalt  }
0x78: {  	_ =	shalt  }
0x79: {  	_ =	shalt  }
0x7a: {  	_ =	shalt  }
0x7b: {  	_ =	shalt  }
0x7c: {  	_ =	shalt  }
0x7d: {  	_ =	shalt  }
0x7e: {  	_ =	shalt  }
0x7f: {  	_ =	shalt  }
0x80: {  	_ =	shalt  }
0x81: {  	_ =	shalt  }
0x82: {  	_ =	shalt  }
0x83: {  	_ =	shalt  }
0x84: {  	_ =	shalt  }
0x85: {  	_ =	shalt  }
0x86: {  	_ =	shalt  }
0x87: {  	_ =	shalt  }
.Lfunc_end0:
.L_simem_size_0:
called_computation.1_lowered:
.L_overlay_start_0:
0x88: {  	s2 =	sld [smem:$0x3FD9]  }
0x89: {  	s3 =	sld [smem:$0x3FFE];
	_ =	sdelay $0x1  }
0x8a: {  	s1 =	srdreg.scid  }
0x8b: {  	s0 =	sand.u32 $0x1, s1  }
0x8c: {  	s17 =	sshll.u32 s0, $0xA;
	s2 =	sadd.s32 s3, s2  }
0x8d: {  	s2 =	sadd.s32 s2, s17  }
0x8e: {  	[smem:$0x3FC5] =	sst s2  }
0x8f: {  	_ = 	snop  }
0x90: {  	s2 =	sld [smem:$0x3FC7]  }
0x91: {  	s18 =	sld [smem:$0x3FD0];
	(tm) =	ssettm $0x1  }
0x92: {  	s4 =	sld [smem:$0x3FFB];
	_ =	sdelay $0x3  }
0x93: {  	_ =	strace s4  }
0x94: {  	s4 =	sld [smem:$0x3FFC];
	_ =	sdelay $0x3  }
0x95: {  	_ =	strace s4  }
0x96: {  	s4 =	sld [smem:$0x3FFD];
	_ =	sdelay $0x3  }
0x97: {  	_ =	strace s4  }
0x98: {  	_ =	strace $0x8FFFFFFF  }
0x99: {  	s19 =	sld [smem:$0x3FDB];
	_ =	sdelay $0x1  }
0x9a: {  	s5 =	simm.s32 $_scs_section_size  }
0x9b: {  	s6 =	simm.s32 $_size__tile_overlayer_lowered;
	s7 =	simm.s32 $_tile_overlayer_lowered  }
0x9c: {  	s22 =	simm.s32 $0x1BFF;
	s21 =	sshll.u32 s7, $0x1;
	s4 =	sadd.s32 s5, s19  }
0x9d: {  	s8 =	simm.s32 $0x0;
	s20 =	sshll.u32 s6, $0x1;
	s6 =	sadd.s32 s21, s4  }
0x9e: {  	[timem:s8], [sflag:s22] =	dma.local [hbm:s6], s20  }
0x9f: {  	_ =	swait.ge [sflag:s22], s20  }
0xa0: {  	s5 =	ssub.s32 $0x0, s20;
	[sflag:s22] =	ssyncset.done $0x0  }
0xa1: {  	[sflag:s22] =	ssyncadd.s32 s5;
	_ =	sdelay $0x1  }
0xa2: {  	s23 =	simm.s32 $0x1B8B  }
0xa3: {  	_ =	swait.ge [sflag:s23], $0x1  }
0xa4: {  	[sflag:s23] =	ssyncset.done $0x0  }
0xa5: {  	s25 =	simm.s32 $0x1B8E;
	s24 =	sld [smem:$0x3FFE];
	[sflag:s23] =	ssyncadd.s32 $0xFFFFFFFF  }
0xa6: {  	s26 =	simm.s32 $execute0_lowered;
	[smem:$0x3FD2] =	sst s25  }
0xa7: {  	s6 =	sshll.u32 s26, $0x1;
	_ =	strace $0x80000046;
	[dreg:$0x1] =	wrdreg $0xFFFFFFFF  }
0xa8: {  	s28 =	simm.s32 $_size_execute0_lowered;
	s4 =	sadd.s32 s4, s6;
	[dreg:$0x0] =	wrdreg $0x0  }
0xa9: {  	s6 =	sshll.u32 s28, $0x1;
	[dreg:$0x2] =	wrdreg s4  }
0xaa: {  	[dreg:$0x3] =	wrdreg s6  }
0xab: {  	[dreg:$0x4] =	wrdreg $0xC0  }
0xac: {  	_ =	task [dreg:s8], $0x5FFFF  }
0xad: {  	[dreg:$0x1] =	wrdreg $0xFFFFFFFF  }
0xae: {  	[dreg:$0x0] =	wrdreg $0x60  }
0xaf: {  	[dreg:$0x2] =	wrdreg s24  }
0xb0: {  	[dreg:$0x3] =	wrdreg s2  }
0xb1: {  	[dreg:$0x4] =	wrdreg s18  }
0xb2: {  	[dreg:$0x5] =	wrdreg $0x9  }
0xb3: {  	_ =	task.clear_ibuf [dreg:s8], $0x6FFFF;
	_ =	strace $0x90000046  }
0xb4: {  	s29 =	simm.s32 $0x9;
	_ =	strace $0x80000048  }
0xb5: {  	_ =	swait.ge [sflag:s29], $0x1  }
0xb6: {  	[sflag:s29] =	ssyncadd.s32 $0xFFFFFFFF  }
0xb7: {  	_ =	strace $0x90000048  }
0xb8: {  	_ =	sfence  }
0xb9: {  	s30 =	sld [smem:$0x0];
	_ =	sdelay $0x2  }
0xba: {  	s31 =	sshll.u32 s1, $0xD;
	s1 =	sshrl.u32 s1, $0x2  }
0xbb: {  	s3 =	sand.u32 $0x4000, s31;
	s1 =	sadd.s32 s1, s30  }
0xbc: {  	s0 =	sor.u32 s3, s0;
	s1 =	sshll.u32 s1, $0x11  }
0xbd: {  	s0 =	sor.u32 s1, s0  }
0xbe: {  	s0 =	sadd.s32 $0x8F2B, s0  }
0xbf: {  	[sflag:s0] =	ssyncadd.remote.s32 $0x1  }
0xc0: {  	_ =	sfence.sel $0xFFFF  }
0xc1: {  	[dreg:$0x0] =	wrdreg $0xFFFFFFFF;
	(pc) =	sbr.abs _section_cstart, $3  }
0xc2: {  	[dreg:$0x1] =	wrdreg $0xFFFFFFFF  }
0xc3: {  	_ =	task.clear_ibuf [dreg:s8], $0x2FFFF;
	_ =	strace $0x9FFFFFFF  }
0xc4: {  	(tm) =	ssettm $0x7FFFFFFF  }
0xc5: {  	_ =	shalt  }
tec
execute0_lowered:
.L_overlay_start_1:
0x0: {  	(tag) =	ssettag $0x1  }
0x1: {  	s5 =	rddreg [dreg:$0x0]  }
0x2: {  	s2 =	rddreg [dreg:$0x1]  }
0x3: {  	s1 =	srdreg.scid;
	s0 =	stileid.u32  }
0x4: {  	s3 =	rddreg [dreg:$0x2];
	s4 =	simm.s32 $0x0;
	s10 =	simm.s32 $0x5  }
0x5: {  	s11 =	simm.s32 $0x80;
	s12 =	simm.s32 $0x1900;
	s13 =	simm.s32 $0x3900  }
0x6: {  	s14 =	simm.s32 $0x1;
	s15 =	simm.s32 $0x5900;
	s16 =	simm.s32 $0x2  }
0x7: {  	s17 =	simm.s32 $0x7900;
	s18 =	simm.s32 $0x3;
	s19 =	simm.s32 $0x4  }
0x8: {  	s20 =	simm.s32 $0x0;
	s6 =	sand.u32 $0x1, s1;
	s7 =	sshll.u32 s0, $0x1  }
.Ltmp0:
0x9: {  	s7 =	sor.u32 s6, s7;
	s6 =	ssub.s32 $0x2, s6;
	(pc) =	sbr.rel .LBB2_1-.Ltmp0, $4  }
0xa: {  	[smem:$0x7FF] =	sst s4;
	s8 =	smul.u32 $0x320, s7;
	s9 =	sshrl.u32 s6, $0x1  }
0xb: {  	s1 =	rddreg [dreg:$0x3];
	_ =	strace $0x80000047;
	s9 =	ssub.s32 s6, s9  }
0xc: {  	s6 =	smul.u32 $0x32, s7;
	s8 =	sadd.s32 s8, s5;
	s5 =	sadd.s32 $0xF42E00, s5  }
0xd: {  	s7 =	sadd.s32 $0xA00, s8;
	s8 =	smax.u32 s9, $0x1;
	s9 =	simm.s32 $0x9900  }
.LBB2_8:
0xe: {  	s20 =	sadd.s32 $0x1, s20  }
0xf: {  	_ =	swait.ge [sflag:s18], $0x2000;
	p0 =	sne.s32 s20, s8  }
.Ltmp1:
0x10: {  	[sflag:s18] =	ssyncset.done $0x0;
	(pc) =	sbr.rel @!p0 .LBB2_9-.Ltmp1, $4  }
0x11: {  	[sflag:s18] =	ssyncadd.s32 $0xFFFFE000  }
0x12: {  	_ =	swait.ge [sflag:s19], $0x2000  }
0x13: {  	[sflag:s19] =	ssyncset.done $0x0  }
0x14: {  	[sflag:s19] =	ssyncadd.s32 $0xFFFFE000  }
.LBB2_1:
0x15: {  	[tilespmem:s9], [sflag:$0x5] =	stream.linear.gather [hbm4b:s2+s4], $0x3200, $0x38;
	[tilespmem:$0xCB00] =	vst v63  }
0x16: {  	_ =	swait.ge [sflag:s10], $0x3200  }
0x17: {  	[sflag:s10] =	ssyncset.done $0x0  }
0x18: {  	[sflag:s10] =	ssyncadd.s32 $0xFFFFCE00  }
0x19: {  	[tilespmem:s4], [sflag:$0x5] =	stream.linear.gather [hbm4b:s7+s4], $0x1900, $0x38;
	[tilespmem:$0xCB00] =	vst v63  }
0x1a: {  	_ =	swait.ge [sflag:s10], $0x1900  }
0x1b: {  	[sflag:s10] =	ssyncset.done $0x0  }
0x1c: {  	[sflag:s10] =	ssyncadd.s32 $0xFFFFE700  }
0x1d: {  	[tilespmem:s12], [sflag:$0x1] =	stream.indirect.gather [hbm4b:s5+s11], $0x40, s4, s11, $0xb8;
	[tilespmem:$0xCB00] =	vst v63  }
0x1e: {  	s21 =	simm.s32 $0x0  }
0x1f: {  	[tilespmem:s13], [sflag:$0x2] =	stream.indirect.gather [hbm4b:s5+s11], $0x40, s11, s11, $0xb8;
	[tilespmem:$0xCB00] =	vst v63  }
.LBB2_2:
0x20: {  	_ =	swait.ge [sflag:s14], $0x2000  }
0x21: {  	p0 =	seq.s32 s21, $0x0;
	[sflag:s14] =	ssyncset.done $0x0  }
0x22: {  	s22 =	sshll.u32 s21, $0x1;
	s24 =	simm.s32 @!p0 $0x3;
	[sflag:s14] =	ssyncadd.s32 $0xFFFFE000  }
0x23: {  	s23 =	sadd.s32 s6, s22;
	_ =	swait.ge @!p0 [sflag:s24], $0x2000  }
0x24: {  	s25 =	sshll.u32 s23, $0x3;
	[sflag:s24] =	ssyncset.done @!p0 $0x0  }
0x25: {  	s31 =	sand.u32 $0x7FFFFFC0, s25;
	[sflag:s24] =	ssyncadd.s32 @!p0 $0xFFFFE000  }
0x26: {  	v2 =	vld [tilespmem:s31+$0x9900]  }
0x27: {  	s24 =	simm.s32 $0x0;
	v1 =	vld [tilespmem:s31+$0x9910]  }
0x28: {  	v4 =	vld [tilespmem:s24+$0x19F0]  }
0x29: {  	v3 =	vld [tilespmem:s31+$0x9930]  }
0x2a: {  	v5 =	vld [tilespmem:s24+$0x1900]  }
0x2b: {  	v6 =	vld [tilespmem:s24+$0x1910]  }
0x2c: {  	v7 =	vld [tilespmem:s24+$0x1920]  }
0x2d: {  	v0 =	vld [tilespmem:s31+$0x9920];
	v4 =	vmul.f32 $8.000000000e+00, v4  }
0x2e: {  	v8 =	vld [tilespmem:s24+$0x1930]  }
0x2f: {  	v9 =	vld [tilespmem:s24+$0x1940];
	v5 =	vmul.f32 $8.000000000e+00, v5;
	v4 =	vadd.f32 v4, v3  }
0x30: {  	v10 =	vld [tilespmem:s24+$0x1950];
	v6 =	vmul.f32 $8.000000000e+00, v6  }
0x31: {  	v5 =	vadd.f32 v5, v2;
	[tilespmem:s24+$0x59F0] =	vst v4;
	v4 =	vmul.f32 $8.000000000e+00, v7  }
0x32: {  	v11 =	vld [tilespmem:s24+$0x1960];
	v6 =	vadd.f32 v6, v1  }
0x33: {  	v12 =	vld [tilespmem:s24+$0x1970];
	[tilespmem:s24+$0x5900] =	vst v5;
	v5 =	vmul.f32 $8.000000000e+00, v8;
	v7 =	vadd.f32 v4, v0  }
0x34: {  	v13 =	vld [tilespmem:s24+$0x1980];
	[tilespmem:s24+$0x5910] =	vst v6;
	v6 =	vmul.f32 $8.000000000e+00, v9  }
0x35: {  	v14 =	vld [tilespmem:s24+$0x1990];
	v8 =	vadd.f32 v5, v3;
	[tilespmem:s24+$0x5920] =	vst v7;
	v7 =	vmul.f32 $8.000000000e+00, v10  }
0x36: {  	v4 =	vld [tilespmem:s24+$0x19A0];
	v9 =	vadd.f32 v6, v2  }
0x37: {  	v5 =	vld [tilespmem:s24+$0x19B0];
	[tilespmem:s24+$0x5930] =	vst v8;
	v8 =	vmul.f32 $8.000000000e+00, v11;
	v10 =	vadd.f32 v7, v1  }
0x38: {  	v6 =	vld [tilespmem:s24+$0x19C0];
	[tilespmem:s24+$0x5940] =	vst v9;
	v11 =	vmul.f32 $8.000000000e+00, v12  }
0x39: {  	v7 =	vld [tilespmem:s24+$0x19D0];
	v9 =	vadd.f32 v8, v0;
	[tilespmem:s24+$0x5950] =	vst v10;
	v10 =	vmul.f32 $8.000000000e+00, v13  }
0x3a: {  	s26 =	simm.s32 $0x800;
	s25 =	simm.s32 $0x100;
	v12 =	vadd.f32 v11, v3;
	v11 =	vmul.f32 $8.000000000e+00, v14;
	v8 =	vld [tilespmem:s24+$0x19E0]  }
.LBB2_3:
0x3b: {  	p1 =	sne.s32 s26, $0x7C00;
	v13 =	vld [tilespmem:s25+$0x19F0];
	[tilespmem:s24+$0x5960] =	vst v9;
	v9 =	vadd.f32 v10, v2;
	v4 =	vmul.f32 $8.000000000e+00, v4  }
0x3c: {  	v10 =	vld [tilespmem:s25+$0x1900];
	[tilespmem:s24+$0x5970] =	vst v12;
	v11 =	vadd.f32 v11, v1;
	v5 =	vmul.f32 $8.000000000e+00, v5  }
0x3d: {  	v12 =	vld [tilespmem:s25+$0x1910];
	[tilespmem:s24+$0x5980] =	vst v9;
	v4 =	vadd.f32 v4, v0;
	v6 =	vmul.f32 $8.000000000e+00, v6  }
0x3e: {  	v9 =	vld [tilespmem:s25+$0x1920];
	[tilespmem:s24+$0x5990] =	vst v11;
	v5 =	vadd.f32 v5, v3;
	v7 =	vmul.f32 $8.000000000e+00, v7  }
0x3f: {  	v11 =	vld [tilespmem:s25+$0x1930];
	[tilespmem:s24+$0x59A0] =	vst v4;
	v4 =	vadd.f32 v6, v2;
	v6 =	vmul.f32 $8.000000000e+00, v8  }
0x40: {  	v8 =	vld [tilespmem:s25+$0x1940];
	v13 =	vmul.f32 $8.000000000e+00, v13;
	[tilespmem:s24+$0x59B0] =	vst v5;
	v5 =	vadd.f32 v7, v1  }
0x41: {  	v7 =	vmul.f32 $8.000000000e+00, v10;
	v10 =	vld [tilespmem:s25+$0x1950];
	[tilespmem:s24+$0x59C0] =	vst v4;
	v4 =	vadd.f32 v6, v0  }
0x42: {  	v6 =	vmul.f32 $8.000000000e+00, v12;
	v12 =	vld [tilespmem:s25+$0x1960];
	v13 =	vadd.f32 v13, v3;
	[tilespmem:s24+$0x59D0] =	vst v5  }
0x43: {  	v5 =	vadd.f32 v7, v2;
	v7 =	vmul.f32 $8.000000000e+00, v9;
	v9 =	vld [tilespmem:s25+$0x1970];
	[tilespmem:s24+$0x59E0] =	vst v4;
	s24 =	smov.u32 s25  }
0x44: {  	v4 =	vadd.f32 v6, v1;
	v6 =	vmul.f32 $8.000000000e+00, v11;
	v11 =	vld [tilespmem:s24+$0x1980];
	[tilespmem:s24+$0x59F0] =	vst v13  }
0x45: {  	[tilespmem:s24+$0x5900] =	vst v5;
	v5 =	vadd.f32 v7, v0;
	v7 =	vmul.f32 $8.000000000e+00, v8;
	v8 =	vld [tilespmem:s24+$0x1990]  }
.Ltmp2:
0x46: {  	[tilespmem:s24+$0x5910] =	vst v4;
	v6 =	vadd.f32 v6, v3;
	v10 =	vmul.f32 $8.000000000e+00, v10;
	v4 =	vld [tilespmem:s24+$0x19A0];
	(pc) =	sbr.rel @p1 .LBB2_3-.Ltmp2, $4  }
0x47: {  	[tilespmem:s24+$0x5920] =	vst v5;
	v7 =	vadd.f32 v7, v2;
	v12 =	vmul.f32 $8.000000000e+00, v12;
	v5 =	vld [tilespmem:s24+$0x19B0]  }
0x48: {  	[tilespmem:s24+$0x5930] =	vst v6;
	v13 =	vadd.f32 v10, v1;
	v14 =	vmul.f32 $8.000000000e+00, v9;
	v6 =	vld [tilespmem:s24+$0x19C0]  }
0x49: {  	[tilespmem:s24+$0x5940] =	vst v7;
	v9 =	vadd.f32 v12, v0;
	v10 =	vmul.f32 $8.000000000e+00, v11;
	v7 =	vld [tilespmem:s24+$0x19D0]  }
0x4a: {  	s25 =	sshra.s32 s26, $0x2;
	s26 =	sadd.s32 $0x400, s26;
	[tilespmem:s24+$0x5950] =	vst v13;
	v12 =	vadd.f32 v14, v3;
	v11 =	vmul.f32 $8.000000000e+00, v8;
	v8 =	vld [tilespmem:s24+$0x19E0]  }
0x4b: {  	v13 =	vld [tilespmem:s25+$0x19F0];
	[tilespmem:s24+$0x5960] =	vst v9;
	v10 =	vadd.f32 v10, v2;
	v4 =	vmul.f32 $8.000000000e+00, v4  }
0x4c: {  	v9 =	vld [tilespmem:s25+$0x1900];
	[tilespmem:s24+$0x5970] =	vst v12;
	v11 =	vadd.f32 v11, v1;
	v5 =	vmul.f32 $8.000000000e+00, v5  }
0x4d: {  	v12 =	vld [tilespmem:s25+$0x1910];
	[tilespmem:s24+$0x5980] =	vst v10;
	v4 =	vadd.f32 v4, v0;
	v6 =	vmul.f32 $8.000000000e+00, v6  }
0x4e: {  	v10 =	vld [tilespmem:s25+$0x1920];
	[tilespmem:s24+$0x5990] =	vst v11;
	v5 =	vadd.f32 v5, v3;
	v7 =	vmul.f32 $8.000000000e+00, v7  }
0x4f: {  	v11 =	vld [tilespmem:s25+$0x1930];
	[tilespmem:s24+$0x59A0] =	vst v4;
	v6 =	vadd.f32 v6, v2;
	v8 =	vmul.f32 $8.000000000e+00, v8  }
0x50: {  	v4 =	vld [tilespmem:s25+$0x1940];
	[tilespmem:s24+$0x59B0] =	vst v5;
	v7 =	vadd.f32 v7, v1  }
0x51: {  	v5 =	vld [tilespmem:s25+$0x1950];
	[tilespmem:s24+$0x59C0] =	vst v6;
	v8 =	vadd.f32 v8, v0  }
0x52: {  	v6 =	vld [tilespmem:s25+$0x1960];
	[tilespmem:s24+$0x59D0] =	vst v7;
	v7 =	vmul.f32 $8.000000000e+00, v9  }
0x53: {  	v9 =	vld [tilespmem:s25+$0x1970];
	[tilespmem:s24+$0x59E0] =	vst v8;
	v8 =	vmul.f32 $8.000000000e+00, v12  }
0x54: {  	v10 =	vmul.f32 $8.000000000e+00, v10;
	v7 =	vadd.f32 v7, v2  }
0x55: {  	v11 =	vmul.f32 $8.000000000e+00, v11;
	v8 =	vadd.f32 v8, v1  }
0x56: {  	v12 =	vld [tilespmem:s25+$0x1980];
	v10 =	vadd.f32 v10, v0;
	v4 =	vmul.f32 $8.000000000e+00, v4;
	[tilespmem:s25+$0x5900] =	vst v7  }
0x57: {  	v13 =	vmul.f32 $8.000000000e+00, v13;
	v7 =	vld [tilespmem:s25+$0x1990];
	v11 =	vadd.f32 v11, v3;
	[tilespmem:s25+$0x5910] =	vst v8  }
0x58: {  	v5 =	vmul.f32 $8.000000000e+00, v5;
	v8 =	vld [tilespmem:s25+$0x19A0];
	[tilespmem:s25+$0x5920] =	vst v10;
	v4 =	vadd.f32 v4, v2  }
0x59: {  	v13 =	vadd.f32 v13, v3;
	v10 =	vld [tilespmem:s25+$0x19B0];
	v6 =	vmul.f32 $8.000000000e+00, v6;
	[tilespmem:s25+$0x5930] =	vst v11  }
0x5a: {  	v11 =	vld [tilespmem:s25+$0x19C0];
	v5 =	vadd.f32 v5, v1;
	[tilespmem:s25+$0x5940] =	vst v4;
	v4 =	vmul.f32 $8.000000000e+00, v9  }
0x5b: {  	[tilespmem:s25+$0x59F0] =	vst v13;
	v9 =	vld [tilespmem:s25+$0x19D0];
	v6 =	vadd.f32 v6, v0;
	v12 =	vmul.f32 $8.000000000e+00, v12  }
0x5c: {  	[tilespmem:s25+$0x5950] =	vst v5;
	v4 =	vadd.f32 v4, v3;
	v5 =	vmul.f32 $8.000000000e+00, v7;
	v7 =	vld [tilespmem:s25+$0x19E0]  }
0x5d: {  	[tilespmem:s25+$0x5960] =	vst v6;
	v6 =	vadd.f32 v12, v2;
	v8 =	vmul.f32 $8.000000000e+00, v8  }
0x5e: {  	[tilespmem:s25+$0x5970] =	vst v4;
	v4 =	vadd.f32 v5, v1;
	v5 =	vmul.f32 $8.000000000e+00, v10  }
0x5f: {  	[tilespmem:s25+$0x5980] =	vst v6;
	v6 =	vadd.f32 v8, v0;
	v8 =	vmul.f32 $8.000000000e+00, v11  }
0x60: {  	[tilespmem:s25+$0x5990] =	vst v4;
	v3 =	vadd.f32 v5, v3;
	v4 =	vmul.f32 $8.000000000e+00, v9  }
0x61: {  	[tilespmem:s25+$0x59A0] =	vst v6;
	v2 =	vadd.f32 v8, v2;
	v5 =	vmul.f32 $8.000000000e+00, v7  }
0x62: {  	[tilespmem:s25+$0x59B0] =	vst v3;
	v1 =	vadd.f32 v4, v1  }
0x63: {  	[tilespmem:s25+$0x59C0] =	vst v2;
	v0 =	vadd.f32 v5, v0  }
0x64: {  	s23 =	sshll.u32 s23, $0xA;
	[tilespmem:s25+$0x59D0] =	vst v1  }
0x65: {  	p1 =	seq.s32 s21, $0x18;
	s23 =	sadd.s32 s3, s23;
	[tilespmem:s25+$0x59E0] =	vst v0  }
0x66: {  	[hbm4b:s23+s4] =	stream.linear.scatter [tilespmem:s15], [sflag:$0x3], $0x2000, $0x38;
	[tilespmem:$0xCB00] =	vst v63  }
0x67: {  	s23 =	sshll.u32 @!p1 s21, $0x8  }
0x68: {  	s23 =	sand.u32 @!p1 $0x3FFFFF00, s23  }
0x69: {  	s24 =	simm.s32 @!p1 $0x80;
	s25 =	simm.s32 @!p1 $0x1900;
	s23 =	sadd.s32 @!p1 $0x100, s23  }
0x6a: {  	[tilespmem:s25], [sflag:$0x1] =	stream.indirect.gather @!p1 [hbm4b:s5+s24], $0x40, s23, s24, $0xb8;
	[tilespmem:$0xCB00] =	vst v63  }
0x6b: {  	_ =	swait.ge [sflag:s16], $0x2000  }
0x6c: {  	[sflag:s16] =	ssyncset.done $0x0  }
0x6d: {  	s22 =	sadd.s32 s22, s6;
	s23 =	simm.s32 @!p0 $0x4;
	[sflag:s16] =	ssyncadd.s32 $0xFFFFE000  }
0x6e: {  	s22 =	sadd.s32 $0x1, s22;
	_ =	swait.ge @!p0 [sflag:s23], $0x2000  }
0x6f: {  	s30 =	sshll.u32 s22, $0x3;
	[sflag:s23] =	ssyncset.done @!p0 $0x0  }
0x70: {  	s31 =	sand.u32 $0x7FFFFFC0, s30;
	[sflag:s23] =	ssyncadd.s32 @!p0 $0xFFFFE000  }
0x71: {  	v2 =	vld [tilespmem:s31+$0x9900]  }
0x72: {  	s23 =	simm.s32 $0x0;
	v1 =	vld [tilespmem:s31+$0x9910]  }
0x73: {  	v4 =	vld [tilespmem:s23+$0x39F0]  }
0x74: {  	v3 =	vld [tilespmem:s31+$0x9930]  }
0x75: {  	v5 =	vld [tilespmem:s23+$0x3900]  }
0x76: {  	v6 =	vld [tilespmem:s23+$0x3910]  }
0x77: {  	v7 =	vld [tilespmem:s23+$0x3920]  }
0x78: {  	v0 =	vld [tilespmem:s31+$0x9920];
	v4 =	vmul.f32 $8.000000000e+00, v4  }
0x79: {  	v8 =	vld [tilespmem:s23+$0x3930]  }
0x7a: {  	v9 =	vld [tilespmem:s23+$0x3940];
	v5 =	vmul.f32 $8.000000000e+00, v5;
	v4 =	vadd.f32 v4, v3  }
0x7b: {  	v10 =	vld [tilespmem:s23+$0x3950];
	v6 =	vmul.f32 $8.000000000e+00, v6  }
0x7c: {  	v5 =	vadd.f32 v5, v2;
	[tilespmem:s23+$0x79F0] =	vst v4;
	v4 =	vmul.f32 $8.000000000e+00, v7  }
0x7d: {  	v11 =	vld [tilespmem:s23+$0x3960];
	v6 =	vadd.f32 v6, v1  }
0x7e: {  	v12 =	vld [tilespmem:s23+$0x3970];
	[tilespmem:s23+$0x7900] =	vst v5;
	v5 =	vmul.f32 $8.000000000e+00, v8;
	v7 =	vadd.f32 v4, v0  }
0x7f: {  	v13 =	vld [tilespmem:s23+$0x3980];
	[tilespmem:s23+$0x7910] =	vst v6;
	v6 =	vmul.f32 $8.000000000e+00, v9  }
0x80: {  	v14 =	vld [tilespmem:s23+$0x3990];
	v8 =	vadd.f32 v5, v3;
	[tilespmem:s23+$0x7920] =	vst v7;
	v7 =	vmul.f32 $8.000000000e+00, v10  }
0x81: {  	v4 =	vld [tilespmem:s23+$0x39A0];
	v9 =	vadd.f32 v6, v2  }
0x82: {  	v5 =	vld [tilespmem:s23+$0x39B0];
	[tilespmem:s23+$0x7930] =	vst v8;
	v8 =	vmul.f32 $8.000000000e+00, v11;
	v10 =	vadd.f32 v7, v1  }
0x83: {  	v6 =	vld [tilespmem:s23+$0x39C0];
	[tilespmem:s23+$0x7940] =	vst v9;
	v11 =	vmul.f32 $8.000000000e+00, v12  }
0x84: {  	v7 =	vld [tilespmem:s23+$0x39D0];
	v9 =	vadd.f32 v8, v0;
	[tilespmem:s23+$0x7950] =	vst v10;
	v10 =	vmul.f32 $8.000000000e+00, v13  }
0x85: {  	s24 =	simm.s32 $0x100;
	s25 =	simm.s32 $0x800;
	v12 =	vadd.f32 v11, v3;
	v11 =	vmul.f32 $8.000000000e+00, v14;
	v8 =	vld [tilespmem:s23+$0x39E0]  }
.LBB2_5:
0x86: {  	p0 =	sne.s32 s25, $0x7C00;
	v13 =	vld [tilespmem:s24+$0x39F0];
	[tilespmem:s23+$0x7960] =	vst v9;
	v9 =	vadd.f32 v10, v2;
	v4 =	vmul.f32 $8.000000000e+00, v4  }
0x87: {  	v10 =	vld [tilespmem:s24+$0x3900];
	[tilespmem:s23+$0x7970] =	vst v12;
	v11 =	vadd.f32 v11, v1;
	v5 =	vmul.f32 $8.000000000e+00, v5  }
0x88: {  	v12 =	vld [tilespmem:s24+$0x3910];
	[tilespmem:s23+$0x7980] =	vst v9;
	v4 =	vadd.f32 v4, v0;
	v6 =	vmul.f32 $8.000000000e+00, v6  }
0x89: {  	v9 =	vld [tilespmem:s24+$0x3920];
	[tilespmem:s23+$0x7990] =	vst v11;
	v5 =	vadd.f32 v5, v3;
	v7 =	vmul.f32 $8.000000000e+00, v7  }
0x8a: {  	v11 =	vld [tilespmem:s24+$0x3930];
	[tilespmem:s23+$0x79A0] =	vst v4;
	v4 =	vadd.f32 v6, v2;
	v6 =	vmul.f32 $8.000000000e+00, v8  }
0x8b: {  	v8 =	vld [tilespmem:s24+$0x3940];
	v13 =	vmul.f32 $8.000000000e+00, v13;
	[tilespmem:s23+$0x79B0] =	vst v5;
	v5 =	vadd.f32 v7, v1  }
0x8c: {  	v7 =	vmul.f32 $8.000000000e+00, v10;
	v10 =	vld [tilespmem:s24+$0x3950];
	[tilespmem:s23+$0x79C0] =	vst v4;
	v4 =	vadd.f32 v6, v0  }
0x8d: {  	v6 =	vmul.f32 $8.000000000e+00, v12;
	v12 =	vld [tilespmem:s24+$0x3960];
	v13 =	vadd.f32 v13, v3;
	[tilespmem:s23+$0x79D0] =	vst v5  }
0x8e: {  	v5 =	vadd.f32 v7, v2;
	v7 =	vmul.f32 $8.000000000e+00, v9;
	v9 =	vld [tilespmem:s24+$0x3970];
	[tilespmem:s23+$0x79E0] =	vst v4;
	s23 =	smov.u32 s24  }
0x8f: {  	v4 =	vadd.f32 v6, v1;
	v6 =	vmul.f32 $8.000000000e+00, v11;
	v11 =	vld [tilespmem:s23+$0x3980];
	[tilespmem:s23+$0x79F0] =	vst v13  }
0x90: {  	[tilespmem:s23+$0x7900] =	vst v5;
	v5 =	vadd.f32 v7, v0;
	v7 =	vmul.f32 $8.000000000e+00, v8;
	v8 =	vld [tilespmem:s23+$0x3990]  }
.Ltmp3:
0x91: {  	[tilespmem:s23+$0x7910] =	vst v4;
	v6 =	vadd.f32 v6, v3;
	v10 =	vmul.f32 $8.000000000e+00, v10;
	v4 =	vld [tilespmem:s23+$0x39A0];
	(pc) =	sbr.rel @p0 .LBB2_5-.Ltmp3, $4  }
0x92: {  	[tilespmem:s23+$0x7920] =	vst v5;
	v7 =	vadd.f32 v7, v2;
	v12 =	vmul.f32 $8.000000000e+00, v12;
	v5 =	vld [tilespmem:s23+$0x39B0]  }
0x93: {  	[tilespmem:s23+$0x7930] =	vst v6;
	v13 =	vadd.f32 v10, v1;
	v14 =	vmul.f32 $8.000000000e+00, v9;
	v6 =	vld [tilespmem:s23+$0x39C0]  }
0x94: {  	[tilespmem:s23+$0x7940] =	vst v7;
	v9 =	vadd.f32 v12, v0;
	v10 =	vmul.f32 $8.000000000e+00, v11;
	v7 =	vld [tilespmem:s23+$0x39D0]  }
0x95: {  	s24 =	sshra.s32 s25, $0x2;
	s25 =	sadd.s32 $0x400, s25;
	[tilespmem:s23+$0x7950] =	vst v13;
	v12 =	vadd.f32 v14, v3;
	v11 =	vmul.f32 $8.000000000e+00, v8;
	v8 =	vld [tilespmem:s23+$0x39E0]  }
0x96: {  	v13 =	vld [tilespmem:s24+$0x39F0];
	[tilespmem:s23+$0x7960] =	vst v9;
	v10 =	vadd.f32 v10, v2;
	v4 =	vmul.f32 $8.000000000e+00, v4  }
0x97: {  	v9 =	vld [tilespmem:s24+$0x3900];
	[tilespmem:s23+$0x7970] =	vst v12;
	v11 =	vadd.f32 v11, v1;
	v5 =	vmul.f32 $8.000000000e+00, v5  }
0x98: {  	v12 =	vld [tilespmem:s24+$0x3910];
	[tilespmem:s23+$0x7980] =	vst v10;
	v4 =	vadd.f32 v4, v0;
	v6 =	vmul.f32 $8.000000000e+00, v6  }
0x99: {  	v10 =	vld [tilespmem:s24+$0x3920];
	[tilespmem:s23+$0x7990] =	vst v11;
	v5 =	vadd.f32 v5, v3;
	v7 =	vmul.f32 $8.000000000e+00, v7  }
0x9a: {  	v11 =	vld [tilespmem:s24+$0x3930];
	[tilespmem:s23+$0x79A0] =	vst v4;
	v6 =	vadd.f32 v6, v2;
	v8 =	vmul.f32 $8.000000000e+00, v8  }
0x9b: {  	v4 =	vld [tilespmem:s24+$0x3940];
	[tilespmem:s23+$0x79B0] =	vst v5;
	v7 =	vadd.f32 v7, v1;
	v13 =	vmul.f32 $8.000000000e+00, v13  }
0x9c: {  	v5 =	vld [tilespmem:s24+$0x3950];
	[tilespmem:s23+$0x79C0] =	vst v6;
	v8 =	vadd.f32 v8, v0;
	v41 =	vmul.f32 $8.000000000e+00, v9  }
0x9d: {  	v6 =	vld [tilespmem:s24+$0x3960];
	[tilespmem:s23+$0x79D0] =	vst v7;
	v13 =	vadd.f32 v13, v3;
	v43 =	vmul.f32 $8.000000000e+00, v12  }
0x9e: {  	v42 =	vld [tilespmem:s24+$0x3970];
	[tilespmem:s23+$0x79E0] =	vst v8;
	v7 =	vadd.f32 v41, v2;
	v10 =	vmul.f32 $8.000000000e+00, v10  }
0x9f: {  	v44 =	vld [tilespmem:s24+$0x3980];
	[tilespmem:s24+$0x79F0] =	vst v13;
	v8 =	vadd.f32 v43, v1;
	v11 =	vmul.f32 $8.000000000e+00, v11  }
0xa0: {  	v45 =	vld [tilespmem:s24+$0x3990];
	[tilespmem:s24+$0x7900] =	vst v7;
	v10 =	vadd.f32 v10, v0;
	v4 =	vmul.f32 $8.000000000e+00, v4  }
0xa1: {  	v46 =	vld [tilespmem:s24+$0x39A0];
	[tilespmem:s24+$0x7910] =	vst v8;
	v11 =	vadd.f32 v11, v3;
	v5 =	vmul.f32 $8.000000000e+00, v5  }
0xa2: {  	v47 =	vld [tilespmem:s24+$0x39B0];
	[tilespmem:s24+$0x7920] =	vst v10;
	v4 =	vadd.f32 v4, v2;
	v6 =	vmul.f32 $8.000000000e+00, v6  }
0xa3: {  	v48 =	vld [tilespmem:s24+$0x39C0];
	[tilespmem:s24+$0x7930] =	vst v11;
	v5 =	vadd.f32 v5, v1;
	v49 =	vmul.f32 $8.000000000e+00, v42  }
0xa4: {  	v50 =	vld [tilespmem:s24+$0x39D0];
	[tilespmem:s24+$0x7940] =	vst v4;
	v6 =	vadd.f32 v6, v0;
	v12 =	vmul.f32 $8.000000000e+00, v44  }
0xa5: {  	v52 =	vld [tilespmem:s24+$0x39E0];
	v51 =	vmul.f32 $8.000000000e+00, v45;
	[tilespmem:s24+$0x7950] =	vst v5;
	v4 =	vadd.f32 v49, v3  }
0xa6: {  	v8 =	vmul.f32 $8.000000000e+00, v46;
	[tilespmem:s24+$0x7960] =	vst v6;
	v53 =	vadd.f32 v12, v2  }
0xa7: {  	v55 =	vmul.f32 $8.000000000e+00, v47;
	v54 =	vadd.f32 v51, v1;
	[tilespmem:s24+$0x7970] =	vst v4  }
0xa8: {  	v57 =	vmul.f32 $8.000000000e+00, v48;
	v56 =	vadd.f32 v8, v0;
	[tilespmem:s24+$0x7980] =	vst v53  }
0xa9: {  	v59 =	vmul.f32 $8.000000000e+00, v50;
	v58 =	vadd.f32 v55, v3;
	[tilespmem:s24+$0x7990] =	vst v54  }
0xaa: {  	v61 =	vmul.f32 $8.000000000e+00, v52;
	v60 =	vadd.f32 v57, v2;
	[tilespmem:s24+$0x79A0] =	vst v56  }
.Ltmp4:
0xab: {  	v62 =	vadd.f32 v59, v1;
	[tilespmem:s24+$0x79B0] =	vst v58;
	(pc) =	sbr.rel @p1 .LBB2_8-.Ltmp4, $4  }
0xac: {  	s22 =	sshll.u32 s22, $0xA;
	v63 =	vadd.f32 v61, v0;
	[tilespmem:s24+$0x79C0] =	vst v60  }
0xad: {  	s22 =	sand.u32 $0x1FFFFC00, s22;
	[tilespmem:s24+$0x79D0] =	vst v62  }
0xae: {  	s22 =	sadd.s32 s3, s22;
	[tilespmem:s24+$0x79E0] =	vst v63  }
0xaf: {  	[hbm4b:s22+s4] =	stream.linear.scatter [tilespmem:s17], [sflag:$0x4], $0x2000, $0x38;
	[tilespmem:$0xCB00] =	vst v63  }
.Ltmp5:
0xb0: {  	(pc) =	sbr.rel .LBB2_2-.Ltmp5, $4  }
0xb1: {  	s22 =	sshll.u32 s21, $0x8  }
0xb2: {  	s22 =	sand.u32 $0x3FFFFF00, s22  }
0xb3: {  	s21 =	sadd.s32 $0x1, s21;
	s22 =	sadd.s32 $0x180, s22  }
0xb4: {  	[tilespmem:s13], [sflag:$0x2] =	stream.indirect.gather [hbm4b:s5+s11], $0x40, s22, s11, $0xb8;
	[tilespmem:$0xCB00] =	vst v63  }
.LBB2_9:
0xb5: {  	_ =	sfence.sel $0x180000  }
0xb6: {  	[bflag:$0x0] =	sbarrier.arrive $0xFFFF  }
0xb7: {  	p0 =	sne.s32 s0, $0x0;
	_ =	strace $0x90000047  }
0xb8: {  	s0 =	sadd.s32 @!p0 $0x100000, s1;
	[bflag:$0x2] =	sbarrier.arrive $0xFFFF  }
0xb9: {  	[sflag:s0] =	ssyncadd.tile.s32 @!p0 $0x1;
	_ =	shalt  }
.Lfunc_end2:
_tile_overlayer_lowered:
.L_overlay_start_2:
0xba: {  	(tag) =	ssettag $0x2  }
0xbb: {  	s0 =	rddreg [dreg:$0x0];
	s2 =	stileid.u32  }
0xbc: {  	s1 =	rddreg [dreg:$0x1];
	p0 =	sne.s32 s2, $0x0  }
0xbd: {  	s3 =	rddreg [dreg:$0x2];
	[bflag:$0x3] =	sbarrier.arrive $0xFFFF;
	s2 =	simm.s32 @!p0 $0x1C05  }
0xbe: {  	[timem:s3], [sflag:s2] =	dma.local @!p0 [hbm:s0], s1  }
0xbf: {  	s0 =	simm.s32 @!p0 $0x5  }
0xc0: {  	_ =	swait.ge @!p0 [sflag:s0], s1  }
0xc1: {  	s1 =	ssub.s32 @!p0 $0x0, s1;
	[sflag:s0] =	ssyncset.done @!p0 $0x0  }
0xc2: {  	[sflag:s0] =	ssyncadd.s32 @!p0 s1  }
0xc3: {  	[bflag:$0x3] =	sbarrier.arrive $0xFFFF  }
0xc4: {  	_ =	shalt  }

// kernel: sparse-core-data-format-call.cloned.1.call-start
scs
called_computation_lowered:
.L_overlay_start_0:
0x0: {  	s2 =	sld [smem:$0x3FD9]  }
0x1: {  	s3 =	sld [smem:$0x3FFE];
	_ =	sdelay $0x1  }
0x2: {  	s1 =	srdreg.scid  }
0x3: {  	s0 =	sand.u32 $0x1, s1  }
0x4: {  	s18 =	sshll.u32 s0, $0xA;
	s2 =	sadd.s32 s3, s2  }
0x5: {  	s2 =	sadd.s32 s2, s18  }
0x6: {  	[smem:$0x3FC5] =	sst s2  }
0x7: {  	_ = 	snop  }
0x8: {  	s2 =	sld [smem:$0x3FD0];
	(tm) =	ssettm $0x1  }
0x9: {  	s19 =	sld [smem:$0x3FFB];
	_ =	sdelay $0x3  }
0xa: {  	_ =	strace s19  }
0xb: {  	s3 =	sld [smem:$0x3FFC];
	_ =	sdelay $0x3  }
0xc: {  	_ =	strace s3  }
0xd: {  	s3 =	sld [smem:$0x3FFD];
	_ =	sdelay $0x3  }
0xe: {  	_ =	strace s3  }
0xf: {  	_ =	strace $0x8FFFFFFF  }
0x10: {  	s20 =	sld [smem:$0x3FDB];
	_ =	sdelay $0x1  }
0x11: {  	s4 =	simm.s32 $_scs_section_size  }
0x12: {  	s5 =	simm.s32 $_size__tile_overlayer_lowered;
	s6 =	simm.s32 $_tile_overlayer_lowered  }
0x13: {  	s23 =	simm.s32 $0x1BFF;
	s22 =	sshll.u32 s6, $0x1;
	s3 =	sadd.s32 s4, s20  }
0x14: {  	s7 =	simm.s32 $0x0;
	s21 =	sshll.u32 s5, $0x1;
	s5 =	sadd.s32 s22, s3  }
0x15: {  	[timem:s7], [sflag:s23] =	dma.local [hbm:s5], s21  }
0x16: {  	_ =	swait.ge [sflag:s23], s21  }
0x17: {  	s4 =	ssub.s32 $0x0, s21;
	[sflag:s23] =	ssyncset.done $0x0  }
0x18: {  	[sflag:s23] =	ssyncadd.s32 s4;
	_ =	sdelay $0x1  }
0x19: {  	s24 =	simm.s32 $0x1B8B  }
0x1a: {  	_ =	swait.ge [sflag:s24], $0x1  }
0x1b: {  	[sflag:s24] =	ssyncset.done $0x0  }
0x1c: {  	s26 =	simm.s32 $0x1B8E;
	s25 =	sld [smem:$0x3FFE];
	[sflag:s24] =	ssyncadd.s32 $0xFFFFFFFF  }
0x1d: {  	s27 =	simm.s32 $execute0_lowered;
	[smem:$0x3FD2] =	sst s26  }
0x1e: {  	s5 =	sshll.u32 s27, $0x1;
	_ =	strace $0x80000049;
	[dreg:$0x1] =	wrdreg $0xFFFFFFFF  }
0x1f: {  	s28 =	simm.s32 $_size_execute0_lowered;
	s3 =	sadd.s32 s3, s5;
	[dreg:$0x0] =	wrdreg $0x0  }
0x20: {  	s5 =	sshll.u32 s28, $0x1;
	[dreg:$0x2] =	wrdreg s3  }
0x21: {  	[dreg:$0x3] =	wrdreg s5  }
0x22: {  	[dreg:$0x4] =	wrdreg $0xC0  }
0x23: {  	_ =	task [dreg:s7], $0x5FFFF  }
0x24: {  	[dreg:$0x1] =	wrdreg $0xFFFFFFFF  }
0x25: {  	[dreg:$0x0] =	wrdreg $0x60  }
0x26: {  	[dreg:$0x2] =	wrdreg s25  }
0x27: {  	[dreg:$0x3] =	wrdreg s2  }
0x28: {  	[dreg:$0x4] =	wrdreg $0x9  }
0x29: {  	_ =	task.clear_ibuf [dreg:s7], $0x5FFFF;
	_ =	strace $0x90000049  }
0x2a: {  	s29 =	simm.s32 $0x9;
	_ =	strace $0x8000004B  }
0x2b: {  	_ =	swait.ge [sflag:s29], $0x1  }
0x2c: {  	[sflag:s29] =	ssyncadd.s32 $0xFFFFFFFF  }
0x2d: {  	_ =	strace $0x9000004B  }
0x2e: {  	_ =	sfence  }
0x2f: {  	s30 =	sld [smem:$0x0];
	_ =	sdelay $0x2  }
0x30: {  	s31 =	sshll.u32 s1, $0xD;
	s1 =	sshrl.u32 s1, $0x2  }
0x31: {  	s3 =	sand.u32 $0x4000, s31;
	s1 =	sadd.s32 s1, s30  }
0x32: {  	s0 =	sor.u32 s3, s0;
	s1 =	sshll.u32 s1, $0x11  }
0x33: {  	s0 =	sor.u32 s1, s0  }
0x34: {  	s0 =	sadd.s32 $0x8F2B, s0  }
0x35: {  	[sflag:s0] =	ssyncadd.remote.s32 $0x1  }
0x36: {  	_ =	sfence.sel $0xFFFF  }
0x37: {  	[dreg:$0x0] =	wrdreg $0xFFFFFFFF;
	(pc) =	sbr.abs _section_cstart, $3  }
0x38: {  	[dreg:$0x1] =	wrdreg $0xFFFFFFFF  }
0x39: {  	_ =	task.clear_ibuf [dreg:s7], $0x2FFFF;
	_ =	strace $0x9FFFFFFF  }
0x3a: {  	(tm) =	ssettm $0x7FFFFFFF  }
0x3b: {  	_ =	shalt  }
tec
execute0_lowered:
.L_overlay_start_1:
0x0: {  	(tag) =	ssettag $0x1  }
0x1: {  	s0 =	srdreg.scid  }
0x2: {  	s1 =	sshll.u32 s0, $0x4  }
0x3: {  	s4 =	rddreg [dreg:$0x0];
	s0 =	stileid.u32;
	s1 =	sand.u32 $0x10, s1  }
0x4: {  	s2 =	rddreg [dreg:$0x1];
	s7 =	simm.s32 $0x1;
	s1 =	sor.u32 s0, s1  }
0x5: {  	s8 =	simm.s32 $0x2;
	s11 =	simm.s32 $0x0;
	s3 =	sshll.u32 s1, $0x7  }
0x6: {  	s10 =	simm.s32 $0x0;
	s4 =	sadd.s32 $0xA00, s4;
	s6 =	ssub.s32 $0x32000, s3  }
.Ltmp0:
0x7: {  	s1 =	rddreg [dreg:$0x2];
	s5 =	sand.u32 $0xF80, s6;
	(pc) =	sbr.rel .LBB1_1-.Ltmp0, $4  }
0x8: {  	_ =	strace $0x8000004A;
	s9 =	smov.u32 s3;
	p0 =	sne.s32 s5, $0x0  }
0x9: {  	s6 =	sshrl.u32 s6, $0xC;
	s5 =	simm.s32 $0x1;
	s7 =	simm.s32 @!p0 $0x0  }
0xa: {  	[sflag:s5] =	ssyncpa.u1 $0x0;
	p0 =	por $0x0, $0x0;
	s6 =	sadd.s32 s7, s6  }
0xb: {  	[sflag:s8] =	ssyncpa.u1 $0x0;
	s8 =	simm.s32 $0x190000;
	s7 =	sadd.s32 $0x1, s6  }
.LBB1_4:
0xc: {  	s14 =	sshll.u32 s11, $0x3  }
0xd: {  	s30 =	sand.u32 $0x7F, s11;
	s15 =	sand.u32 $0xFFFFFC00, s14  }
0xe: {  	s11 =	sor.u32 s30, s15  }
0xf: {  	s15 =	smulhi.u32 $0x51EB851F, s11  }
0x10: {  	s14 =	smulhi.u32 $0x51EB851F, s14  }
0x11: {  	s15 =	sshrl.u32 s15, $0x10  }
0x12: {  	s14 =	sshrl.u32 s14, $0x10;
	s15 =	smul.u32 $0x32000, s15  }
0x13: {  	s14 =	sand.u32 $0x3F, s14  }
0x14: {  	s14 =	smul.u32 $0x6400, s14;
	s11 =	ssub.s32 s11, s15  }
0x15: {  	[tilespmem:s13+$0x810 ss:$0x81] =	vst.msk $0xffff, v2;
	s15 =	sand.u32 $0x7, s11  }
0x16: {  	[tilespmem:s13+$0x1020 ss:$0x81] =	vst.msk $0xffff, v0;
	s14 =	sadd.s32 s2, s14;
	s11 =	sshrl.u32 s11, $0x3;
	s15 =	sshll.u32 s15, $0x12  }
0x17: {  	[tilespmem:s13+$0x0 ss:$0x81] =	vst.msk $0xffff, v1;
	s11 =	sadd.s32 s11, s14;
	s31 =	sor.u32 $0x400, s15  }
0x18: {  	[hbm4b:s11+s31] =	stream.strided.scatter [tilespmem:s12], [sflag:$0x2], $0x2000, s8, s31, $0x20;
	[tilespmem:$0x8080] =	vst v63  }
.LBB1_5:
0x19: {  	s13 =	sadd.s32 $0x1000, s9  }
0x1a: {  	p2 =	sgt.s32 s13, $0x31FFF  }
0x1b: {  	s13 =	smov.u32 @p2 s3;
	p2 =	sne.s32 s10, s7  }
.Ltmp1:
0x1c: {  	p1 =	slt.u32 s10, $0x2;
	(pc) =	sbr.rel @!p2 .LBB1_6-.Ltmp1, $4  }
0x1d: {  	s12 =	simm.s32 @!p1 $0x2  }
0x1e: {  	s14 =	sadd.s32 $0x1, s10;
	_ =	swait.ge @!p1 [sflag:s12], $0x2000  }
0x1f: {  	s11 =	smov.u32 s9;
	p0 =	por !p0, !p0;
	[sflag:s12] =	ssyncset.done @!p1 $0x0  }
0x20: {  	s10 =	smov.u32 s14;
	s9 =	smov.u32 s13;
	[sflag:s12] =	ssyncadd.s32 @!p1 $0xFFFFE000  }
.LBB1_1:
0x21: {  	p1 =	sge.u32 s10, s6  }
0x22: {  	s12 =	sand.u32 @!p1 $0x1FFFFFF, s9  }
0x23: {  	s13 =	smulhi.u32 @!p1 $0x147AE15, s12;
	_ =	sdelay $0x1  }
0x24: {  	s13 =	sshrl.u32 @!p1 s13, $0xA  }
0x25: {  	s13 =	smul.u32 @!p1 $0x32000, s13;
	_ =	sdelay $0x1  }
0x26: {  	s31 =	sadd.s32 $0xFFFFFFFF, s10;
	s14 =	sxor.u32 @!p1 $0xFFFFFFFF, s10;
	s12 =	ssub.s32 @!p1 s12, s13  }
0x27: {  	s15 =	simm.s32 @!p1 $0x80;
	s14 =	sshll.u32 @!p1 s14, $0xD;
	s12 =	sshll.u32 @!p1 s12, $0x4  }
0x28: {  	s13 =	sand.u32 @!p1 $0x2000, s14;
	s14 =	simm.s32 @!p1 $0x40;
	s12 =	sadd.s32 @!p1 s4, s12  }
0x29: {  	[tilespmem:s13], [sflag:$0x1] =	stream.strided.gather @!p1 [hbm4b:s12+s14], $0x2000, s15, s14, $0x38;
	[tilespmem:$0x8080] =	vst v63  }
0x2a: {  	p1 =	sge.u32 s31, s6  }
.Ltmp2:
0x2b: {  	_ = 	snop;
	(pc) =	sbr.rel @p1 .LBB1_5-.Ltmp2, $1  }
0x2c: {  	_ =	sdelay $0x3  }
0x2d: {  	s12 =	simm.s32 $0x1  }
0x2e: {  	_ =	swait.ge [sflag:s5], $0x2000;
	s12 =	simm.s32 @!p0 $0x0  }
0x2f: {  	[sflag:s5] =	ssyncset.done $0x0;
	s13 =	sshll.u32 s12, $0xD  }
0x30: {  	[sflag:s5] =	ssyncadd.s32 $0xFFFFE000;
	s16 =	sor.u32 $0x20, s13  }
0x31: {  	s12 =	smul.u32 $0x8100, s12;
	v3 =	vld [tilespmem:s16+$0x10]  }
0x32: {  	s30 =	sand.u32 $0x1, s10;
	v2 =	vld [tilespmem:s16+$0xFFFFFFF0]  }
0x33: {  	s13 =	smul.u32 $0x8100, s30;
	s12 =	sshrl.u32 s12, $0x2;
	v0 =	vld [tilespmem:s16+$0x0]  }
0x34: {  	v1 =	vld [tilespmem:s16+$0xFFFFFFE0];
	s14 =	sor.u32 $0x4000, s12  }
0x35: {  	s31 =	sshrl.u32 s13, $0x2;
	s13 =	sadd.s32 $0x0, s14  }
0x36: {  	s15 =	simm.s32 $0x4;
	s16 =	sadd.s32 $0x40, s16;
	s12 =	sor.u32 $0x4000, s31;
	[tilespmem:s13+$0x1830 ss:$0x81] =	vst.msk $0xffff, v3  }
.LBB1_3:
0x37: {  	v3 =	vld [tilespmem:s16+$0x10];
	p1 =	sne.s32 s15, $0x1FC;
	[tilespmem:s13+$0x810 ss:$0x81] =	vst.msk $0xffff, v2;
	s17 =	smov.u32 s15;
	s15 =	sadd.s32 $0x4, s15  }
.Ltmp3:
0x38: {  	v2 =	vld [tilespmem:s16+$0xFFFFFFF0];
	[tilespmem:s13+$0x1020 ss:$0x81] =	vst.msk $0xffff, v0;
	(pc) =	sbr.rel @p1 .LBB1_3-.Ltmp3, $4  }
0x39: {  	v0 =	vld [tilespmem:s16+$0x0];
	[tilespmem:s13+$0x0 ss:$0x81] =	vst.msk $0xffff, v1  }
0x3a: {  	s13 =	sshra.s32 s17, $0x2;
	v1 =	vld [tilespmem:s16+$0xFFFFFFE0]  }
0x3b: {  	s13 =	sadd.s32 s13, s14  }
0x3c: {  	s16 =	sadd.s32 $0x40, s16;
	[tilespmem:s13+$0x1830 ss:$0x81] =	vst.msk $0xffff, v3  }
.Ltmp4:
0x3d: {  	_ = 	snop;
	(pc) =	sbr.rel .LBB1_4-.Ltmp4, $1  }
0x3e: {  	_ =	sdelay $0x3  }
.LBB1_6:
0x3f: {  	_ =	sfence.sel $0x180000  }
0x40: {  	s2 =	simm.s32 $0x1;
	[bflag:$0x0] =	sbarrier.arrive $0xFFFF  }
0x41: {  	s31 =	simm.s32 $0x2;
	[sflag:s2] =	ssyncpa.u1 $0x1  }
0x42: {  	[sflag:s31] =	ssyncpa.u1 $0x1  }
0x43: {  	p0 =	sne.s32 s0, $0x0;
	_ =	strace $0x9000004A  }
0x44: {  	s0 =	sadd.s32 @!p0 $0x100000, s1;
	[bflag:$0x2] =	sbarrier.arrive $0xFFFF  }
0x45: {  	[sflag:s0] =	ssyncadd.tile.s32 @!p0 $0x1;
	_ =	shalt  }
.Lfunc_end1:
_tile_overlayer_lowered:
.L_overlay_start_2:
0x46: {  	(tag) =	ssettag $0x2  }
0x47: {  	s0 =	rddreg [dreg:$0x0];
	s2 =	stileid.u32  }
0x48: {  	s1 =	rddreg [dreg:$0x1];
	p0 =	sne.s32 s2, $0x0  }
0x49: {  	s3 =	rddreg [dreg:$0x2];
	[bflag:$0x3] =	sbarrier.arrive $0xFFFF;
	s2 =	simm.s32 @!p0 $0x1C01  }
0x4a: {  	[timem:s3], [sflag:s2] =	dma.local @!p0 [hbm:s0], s1  }
0x4b: {  	s0 =	simm.s32 @!p0 $0x1  }
0x4c: {  	_ =	swait.ge @!p0 [sflag:s0], s1  }
0x4d: {  	s1 =	ssub.s32 @!p0 $0x0, s1;
	[sflag:s0] =	ssyncset.done @!p0 $0x0  }
0x4e: {  	[sflag:s0] =	ssyncadd.s32 @!p0 s1  }
0x4f: {  	[bflag:$0x3] =	sbarrier.arrive $0xFFFF  }
0x50: {  	_ =	shalt  }

</sc_bundles>
